<compile_context>
chip_gen: v7x
topology: tpu7x:2x2x1
jax: 0.10.2.dev20260603
libtpu: 0.0.44.dev20260713+nightly
codegen_flags: <defaults>
</compile_context>

<pallas_src>
import functools

import jax
import jax.numpy as jnp
from jax import lax
from jax.experimental import pallas as pl
from jax.experimental.pallas import tpu as pltpu
from jax.experimental.pallas import tpu_sc as plsc

D = 64
K = 512
N = 64 * 32 * 32
BLK = 8192
GRID = N // BLK

NC = 2
NS = 16
NW = NC * NS
GR = 128
GPW = N // GR // NW
SLAB = 8


def _tc_assign(x_ref, w_ref, idx_ref, loss_ref):
    i = pl.program_id(0)
    xb = x_ref[...]
    w = w_ref[...]
    s = jnp.dot(xb, w, preferred_element_type=jnp.float32)
    xsq = jnp.sum(xb ** 2, axis=1, keepdims=True)
    wsq = jnp.sum(w ** 2, axis=0, keepdims=True)
    d = xsq - 2.0 * s + wsq
    dmin = jnp.min(d, axis=1, keepdims=True)
    iota = jnp.broadcast_to(
        lax.broadcasted_iota(jnp.int32, (1, K), 1).astype(jnp.float32), d.shape)
    idxf = jnp.min(jnp.where(d == dmin, iota, float(K)), axis=1)
    idx_ref[...] = idxf.astype(jnp.int32).reshape(idx_ref.shape)

    @pl.when(i == 0)
    def _():
        loss_ref[0, 0] = 0.0

    loss_ref[0, 0] += jnp.sum(dmin) * (2.0 / (N * D))


_tc_call = pl.pallas_call(
    _tc_assign,
    grid=(GRID,),
    in_specs=[
        pl.BlockSpec((BLK, D), lambda i: (i, 0)),
        pl.BlockSpec((D, K), lambda i: (0, 0)),
    ],
    out_specs=[
        pl.BlockSpec((8, BLK // 8), lambda i: (i, 0)),
        pl.BlockSpec(memory_space=pltpu.SMEM),
    ],
    out_shape=[
        jax.ShapeDtypeStruct((GRID * 8, BLK // 8), jnp.int32),
        jax.ShapeDtypeStruct((1, 1), jnp.float32),
    ],
)


def _sc_gather(table_hbm, idx_hbm, out_hbm, idx_v, rows_v, sem):
    wid = lax.axis_index("s") * NC + lax.axis_index("c")
    base = wid * GPW
    pltpu.sync_copy(idx_hbm.at[pl.ds(base, GPW)], idx_v)
    for h in range(GPW // SLAB):
        copies = []
        for g in range(SLAB):
            copies.append(pltpu.async_copy(
                table_hbm.at[idx_v.at[h * SLAB + g]], rows_v.at[g], sem))
        for c in copies:
            c.wait()
        pltpu.sync_copy(rows_v, out_hbm.at[pl.ds(base + h * SLAB, SLAB)])


@functools.cache
def _sc_call():
    return pl.kernel(
        _sc_gather,
        out_type=jax.ShapeDtypeStruct((N // GR, GR, D), jnp.float32),
        mesh=plsc.VectorSubcoreMesh(
            core_axis_name="c", subcore_axis_name="s",
            num_cores=NC, num_subcores=NS),
        scratch_types=[
            pltpu.VMEM((GPW, GR), jnp.int32),
            pltpu.VMEM((SLAB, GR, D), jnp.float32),
            pltpu.SemaphoreType.DMA,
        ],
        compiler_params=pltpu.CompilerParams(use_tc_tiling_on_sc=False),
    )


def kernel(x, w):
    flat = x.reshape(N, D)
    idx2d, loss = _tc_call(flat, w)
    wt = w.T
    idx = idx2d.reshape(N // GR, GR)
    q = _sc_call()(wt, idx)
    out = q.reshape(x.shape)
    return out, loss[0, 0]

# --- scband reference (transcript-rebuilt; emitter-appended) ---
"""Pipeline reference for scband-vector-quantizer-26989574488266 (READ-ONLY COPY).

The authoritative reference and input builder live on the scoring server;
editing this copy changes nothing except your own understanding.
"""

import jax, jax.numpy as jnp
import numpy as np

EMBEDDING_DIM = 64
NUM_EMBEDDINGS = 512


def setup_inputs(seed: int = 0) -> dict:
    key = jax.random.key(seed)
    k1, k2 = jax.random.split(key)
    x = jax.random.normal(k1, (64, 32, 32, EMBEDDING_DIM), dtype=jnp.float32)
    # keras 'uniform' initializer defaults to U(-0.05, 0.05); shape (embedding_dim, num_embeddings)
    w = jax.random.uniform(k2, (EMBEDDING_DIM, NUM_EMBEDDINGS), dtype=jnp.float32, minval=-0.05, maxval=0.05)
    return {"x": x, "w": w}


def reference(x, w):
    flat_inputs = x.reshape(-1, EMBEDDING_DIM)
    distances = (jnp.sum(flat_inputs ** 2, axis=1, keepdims=True)
                 - 2.0 * (flat_inputs @ w)
                 + jnp.sum(w ** 2, axis=0, keepdims=True))
    encoding_indices = jnp.argmax(-distances, axis=1)
    encoding_indices = encoding_indices.reshape(x.shape[:-1])
    # quantize: embedding lookup into w.T (num_embeddings, embedding_dim)
    quantized = jnp.take(w.T, encoding_indices, axis=0)
    commitment_loss = 1.0 * jnp.mean((jax.lax.stop_gradient(quantized) - x) ** 2)
    codebook_loss = jnp.mean((quantized - jax.lax.stop_gradient(x)) ** 2)
    loss = commitment_loss + codebook_loss
    out = x + jax.lax.stop_gradient(quantized - x)
    return out, loss

if __name__ == "__main__":
    import jax
    _d = setup_inputs()
    print(jax.jit(kernel)(*tuple(_d.values())))

</pallas_src>

<mosaic_0001>
#map = affine_map<(d0, d1) -> (0, 0)>
#map1 = affine_map<(d0, d1) -> (0, 0, 0)>
module attributes {stable_mosaic.version = 14 : i64} {
  func.func @_sc_gather(%arg0: i32, %arg1: i32, %arg2: memref<512x64xf32, #tpu.memory_space<hbm>>, %arg3: memref<512x128xi32, #tpu.memory_space<hbm>>, %arg4: memref<512x128x64xf32, #tpu.memory_space<hbm>>, %arg5: memref<16x128xi32, #tpu.memory_space<vmem>>, %arg6: memref<8x128x64xf32, #tpu.memory_space<vmem>>, %arg7: memref<!tpu.dma_semaphore, #tpu.memory_space<semaphore_mem>>) attributes {dimension_semantics = [#tpu.dimension_semantics<core_parallel>, #tpu.dimension_semantics<subcore_parallel>], iteration_bounds = array<i64: 2, 16>, scalar_prefetch = 0 : i64, scratch_operands = 3 : i64, tpu.core_type = #tpu.core_type<sc_vector_subcore>, window_params = [{transform_indices = #map}, {transform_indices = #map}, {transform_indices = #map1}]} {
    %mul3A = arith.constant 2 : i32
    %mul3A_0 = arith.muli %arg1, %mul3A : i32
    %add3A = arith.addi %mul3A_0, %arg0 : i32
    %mul3A_1 = arith.constant 16 : i32
    %mul3A_2 = arith.muli %add3A, %mul3A_1 : i32
    "tpu.region"() ({
      %run_scoped3A = tpu.sem_alloc : memref<!tpu.dma_semaphore, #tpu.memory_space<semaphore_mem>>
      %dma_start3A_389 = arith.constant 0 : i32
      %dma_start3A_390 = tpu.memref_slice %arg3[%mul3A_2, %dma_start3A_389] : memref<512x128xi32, #tpu.memory_space<hbm>> -> memref<16x128xi32, #tpu.memory_space<hbm>>
      %dma_start3A_391 = arith.constant 0 : i32
      %dma_start3A_392 = tpu.memref_slice %arg3[%mul3A_2, %dma_start3A_391] : memref<512x128xi32, #tpu.memory_space<hbm>> -> memref<16x128xi32, #tpu.memory_space<hbm>>
      tpu.enqueue_dma source(%dma_start3A_392 : memref<16x128xi32, #tpu.memory_space<hbm>>) target(%arg5 : memref<16x128xi32, #tpu.memory_space<vmem>>) target_semaphore(%run_scoped3A : memref<!tpu.dma_semaphore, #tpu.memory_space<semaphore_mem>>)
      %dma_wait3A_393 = arith.constant 0 : i32
      %dma_wait3A_394 = tpu.memref_slice %arg3[%mul3A_2, %dma_wait3A_393] : memref<512x128xi32, #tpu.memory_space<hbm>> -> memref<16x128xi32, #tpu.memory_space<hbm>>
      %dma_wait3A_395 = arith.constant 0 : i32
      %dma_wait3A_396 = tpu.memref_slice %arg3[%mul3A_2, %dma_wait3A_395] : memref<512x128xi32, #tpu.memory_space<hbm>> -> memref<16x128xi32, #tpu.memory_space<hbm>>
      tpu.wait_dma2 semaphore(%run_scoped3A : memref<!tpu.dma_semaphore, #tpu.memory_space<semaphore_mem>>) src(%dma_wait3A_396 : memref<16x128xi32, #tpu.memory_space<hbm>>) dst(%arg5 : memref<16x128xi32, #tpu.memory_space<vmem>>)
      tpu.yield
    }) : () -> ()
    %dma_start3A = arith.constant 0 : i32
    %dma_start3A_3 = arith.constant 0 : i32
    %dma_start3A_4 = arith.constant 0 : i32
    %dma_start3A_5 = arith.constant 0 : i32
    %dma_start3A_6 = tpu.memref_slice %arg6[%dma_start3A_3, %dma_start3A_4, %dma_start3A_5] : memref<8x128x64xf32, #tpu.memory_space<vmem>> -> memref<1x128x64xf32, #tpu.memory_space<vmem>>
    %dma_start3A_7 = tpu.memref_squeeze %dma_start3A_6 : memref<1x128x64xf32, #tpu.memory_space<vmem>> -> memref<128x64xf32, #tpu.memory_space<vmem>>
    %dma_start3A_8 = arith.constant 0 : i32
    %dma_start3A_9 = tpu.memref_slice %arg5[%dma_start3A, %dma_start3A_8] : memref<16x128xi32, #tpu.memory_space<vmem>> -> memref<1x128xi32, #tpu.memory_space<vmem>>
    %dma_start3A_10 = tpu.memref_squeeze %dma_start3A_9 : memref<1x128xi32, #tpu.memory_space<vmem>> -> memref<128xi32, #tpu.memory_space<vmem>>
    %dma_start3A_11 = arith.constant 0 : i32
    %dma_start3A_12 = arith.constant 0 : i32
    %dma_start3A_13 = tpu.memref_slice %arg2[%dma_start3A_11, %dma_start3A_12] : memref<512x64xf32, #tpu.memory_space<hbm>> -> memref<512x64xf32, #tpu.memory_space<hbm>>
    tpu.enqueue_indirect_dma source(%dma_start3A_13 : memref<512x64xf32, #tpu.memory_space<hbm>>) target(%dma_start3A_7 : memref<128x64xf32, #tpu.memory_space<vmem>>) offsets(%dma_start3A_10 : memref<128xi32, #tpu.memory_space<vmem>>) semaphore(%arg7 : memref<!tpu.dma_semaphore, #tpu.memory_space<semaphore_mem>>)
    %dma_start3A_14 = arith.constant 1 : i32
    %dma_start3A_15 = arith.constant 1 : i32
    %dma_start3A_16 = arith.constant 0 : i32
    %dma_start3A_17 = arith.constant 0 : i32
    %dma_start3A_18 = tpu.memref_slice %arg6[%dma_start3A_15, %dma_start3A_16, %dma_start3A_17] : memref<8x128x64xf32, #tpu.memory_space<vmem>> -> memref<1x128x64xf32, #tpu.memory_space<vmem>>
    %dma_start3A_19 = tpu.memref_squeeze %dma_start3A_18 : memref<1x128x64xf32, #tpu.memory_space<vmem>> -> memref<128x64xf32, #tpu.memory_space<vmem>>
    %dma_start3A_20 = arith.constant 0 : i32
    %dma_start3A_21 = tpu.memref_slice %arg5[%dma_start3A_14, %dma_start3A_20] : memref<16x128xi32, #tpu.memory_space<vmem>> -> memref<1x128xi32, #tpu.memory_space<vmem>>
    %dma_start3A_22 = tpu.memref_squeeze %dma_start3A_21 : memref<1x128xi32, #tpu.memory_space<vmem>> -> memref<128xi32, #tpu.memory_space<vmem>>
    %dma_start3A_23 = arith.constant 0 : i32
    %dma_start3A_24 = arith.constant 0 : i32
    %dma_start3A_25 = tpu.memref_slice %arg2[%dma_start3A_23, %dma_start3A_24] : memref<512x64xf32, #tpu.memory_space<hbm>> -> memref<512x64xf32, #tpu.memory_space<hbm>>
    tpu.enqueue_indirect_dma source(%dma_start3A_25 : memref<512x64xf32, #tpu.memory_space<hbm>>) target(%dma_start3A_19 : memref<128x64xf32, #tpu.memory_space<vmem>>) offsets(%dma_start3A_22 : memref<128xi32, #tpu.memory_space<vmem>>) semaphore(%arg7 : memref<!tpu.dma_semaphore, #tpu.memory_space<semaphore_mem>>)
    %dma_start3A_26 = arith.constant 2 : i32
    %dma_start3A_27 = arith.constant 2 : i32
    %dma_start3A_28 = arith.constant 0 : i32
    %dma_start3A_29 = arith.constant 0 : i32
    %dma_start3A_30 = tpu.memref_slice %arg6[%dma_start3A_27, %dma_start3A_28, %dma_start3A_29] : memref<8x128x64xf32, #tpu.memory_space<vmem>> -> memref<1x128x64xf32, #tpu.memory_space<vmem>>
    %dma_start3A_31 = tpu.memref_squeeze %dma_start3A_30 : memref<1x128x64xf32, #tpu.memory_space<vmem>> -> memref<128x64xf32, #tpu.memory_space<vmem>>
    %dma_start3A_32 = arith.constant 0 : i32
    %dma_start3A_33 = tpu.memref_slice %arg5[%dma_start3A_26, %dma_start3A_32] : memref<16x128xi32, #tpu.memory_space<vmem>> -> memref<1x128xi32, #tpu.memory_space<vmem>>
    %dma_start3A_34 = tpu.memref_squeeze %dma_start3A_33 : memref<1x128xi32, #tpu.memory_space<vmem>> -> memref<128xi32, #tpu.memory_space<vmem>>
    %dma_start3A_35 = arith.constant 0 : i32
    %dma_start3A_36 = arith.constant 0 : i32
    %dma_start3A_37 = tpu.memref_slice %arg2[%dma_start3A_35, %dma_start3A_36] : memref<512x64xf32, #tpu.memory_space<hbm>> -> memref<512x64xf32, #tpu.memory_space<hbm>>
    tpu.enqueue_indirect_dma source(%dma_start3A_37 : memref<512x64xf32, #tpu.memory_space<hbm>>) target(%dma_start3A_31 : memref<128x64xf32, #tpu.memory_space<vmem>>) offsets(%dma_start3A_34 : memref<128xi32, #tpu.memory_space<vmem>>) semaphore(%arg7 : memref<!tpu.dma_semaphore, #tpu.memory_space<semaphore_mem>>)
    %dma_start3A_38 = arith.constant 3 : i32
    %dma_start3A_39 = arith.constant 3 : i32
    %dma_start3A_40 = arith.constant 0 : i32
    %dma_start3A_41 = arith.constant 0 : i32
    %dma_start3A_42 = tpu.memref_slice %arg6[%dma_start3A_39, %dma_start3A_40, %dma_start3A_41] : memref<8x128x64xf32, #tpu.memory_space<vmem>> -> memref<1x128x64xf32, #tpu.memory_space<vmem>>
    %dma_start3A_43 = tpu.memref_squeeze %dma_start3A_42 : memref<1x128x64xf32, #tpu.memory_space<vmem>> -> memref<128x64xf32, #tpu.memory_space<vmem>>
    %dma_start3A_44 = arith.constant 0 : i32
    %dma_start3A_45 = tpu.memref_slice %arg5[%dma_start3A_38, %dma_start3A_44] : memref<16x128xi32, #tpu.memory_space<vmem>> -> memref<1x128xi32, #tpu.memory_space<vmem>>
    %dma_start3A_46 = tpu.memref_squeeze %dma_start3A_45 : memref<1x128xi32, #tpu.memory_space<vmem>> -> memref<128xi32, #tpu.memory_space<vmem>>
    %dma_start3A_47 = arith.constant 0 : i32
    %dma_start3A_48 = arith.constant 0 : i32
    %dma_start3A_49 = tpu.memref_slice %arg2[%dma_start3A_47, %dma_start3A_48] : memref<512x64xf32, #tpu.memory_space<hbm>> -> memref<512x64xf32, #tpu.memory_space<hbm>>
    tpu.enqueue_indirect_dma source(%dma_start3A_49 : memref<512x64xf32, #tpu.memory_space<hbm>>) target(%dma_start3A_43 : memref<128x64xf32, #tpu.memory_space<vmem>>) offsets(%dma_start3A_46 : memref<128xi32, #tpu.memory_space<vmem>>) semaphore(%arg7 : memref<!tpu.dma_semaphore, #tpu.memory_space<semaphore_mem>>)
    %dma_start3A_50 = arith.constant 4 : i32
    %dma_start3A_51 = arith.constant 4 : i32
    %dma_start3A_52 = arith.constant 0 : i32
    %dma_start3A_53 = arith.constant 0 : i32
    %dma_start3A_54 = tpu.memref_slice %arg6[%dma_start3A_51, %dma_start3A_52, %dma_start3A_53] : memref<8x128x64xf32, #tpu.memory_space<vmem>> -> memref<1x128x64xf32, #tpu.memory_space<vmem>>
    %dma_start3A_55 = tpu.memref_squeeze %dma_start3A_54 : memref<1x128x64xf32, #tpu.memory_space<vmem>> -> memref<128x64xf32, #tpu.memory_space<vmem>>
    %dma_start3A_56 = arith.constant 0 : i32
    %dma_start3A_57 = tpu.memref_slice %arg5[%dma_start3A_50, %dma_start3A_56] : memref<16x128xi32, #tpu.memory_space<vmem>> -> memref<1x128xi32, #tpu.memory_space<vmem>>
    %dma_start3A_58 = tpu.memref_squeeze %dma_start3A_57 : memref<1x128xi32, #tpu.memory_space<vmem>> -> memref<128xi32, #tpu.memory_space<vmem>>
    %dma_start3A_59 = arith.constant 0 : i32
    %dma_start3A_60 = arith.constant 0 : i32
    %dma_start3A_61 = tpu.memref_slice %arg2[%dma_start3A_59, %dma_start3A_60] : memref<512x64xf32, #tpu.memory_space<hbm>> -> memref<512x64xf32, #tpu.memory_space<hbm>>
    tpu.enqueue_indirect_dma source(%dma_start3A_61 : memref<512x64xf32, #tpu.memory_space<hbm>>) target(%dma_start3A_55 : memref<128x64xf32, #tpu.memory_space<vmem>>) offsets(%dma_start3A_58 : memref<128xi32, #tpu.memory_space<vmem>>) semaphore(%arg7 : memref<!tpu.dma_semaphore, #tpu.memory_space<semaphore_mem>>)
    %dma_start3A_62 = arith.constant 5 : i32
    %dma_start3A_63 = arith.constant 5 : i32
    %dma_start3A_64 = arith.constant 0 : i32
    %dma_start3A_65 = arith.constant 0 : i32
    %dma_start3A_66 = tpu.memref_slice %arg6[%dma_start3A_63, %dma_start3A_64, %dma_start3A_65] : memref<8x128x64xf32, #tpu.memory_space<vmem>> -> memref<1x128x64xf32, #tpu.memory_space<vmem>>
    %dma_start3A_67 = tpu.memref_squeeze %dma_start3A_66 : memref<1x128x64xf32, #tpu.memory_space<vmem>> -> memref<128x64xf32, #tpu.memory_space<vmem>>
    %dma_start3A_68 = arith.constant 0 : i32
    %dma_start3A_69 = tpu.memref_slice %arg5[%dma_start3A_62, %dma_start3A_68] : memref<16x128xi32, #tpu.memory_space<vmem>> -> memref<1x128xi32, #tpu.memory_space<vmem>>
    %dma_start3A_70 = tpu.memref_squeeze %dma_start3A_69 : memref<1x128xi32, #tpu.memory_space<vmem>> -> memref<128xi32, #tpu.memory_space<vmem>>
    %dma_start3A_71 = arith.constant 0 : i32
    %dma_start3A_72 = arith.constant 0 : i32
    %dma_start3A_73 = tpu.memref_slice %arg2[%dma_start3A_71, %dma_start3A_72] : memref<512x64xf32, #tpu.memory_space<hbm>> -> memref<512x64xf32, #tpu.memory_space<hbm>>
    tpu.enqueue_indirect_dma source(%dma_start3A_73 : memref<512x64xf32, #tpu.memory_space<hbm>>) target(%dma_start3A_67 : memref<128x64xf32, #tpu.memory_space<vmem>>) offsets(%dma_start3A_70 : memref<128xi32, #tpu.memory_space<vmem>>) semaphore(%arg7 : memref<!tpu.dma_semaphore, #tpu.memory_space<semaphore_mem>>)
    %dma_start3A_74 = arith.constant 6 : i32
    %dma_start3A_75 = arith.constant 6 : i32
    %dma_start3A_76 = arith.constant 0 : i32
    %dma_start3A_77 = arith.constant 0 : i32
    %dma_start3A_78 = tpu.memref_slice %arg6[%dma_start3A_75, %dma_start3A_76, %dma_start3A_77] : memref<8x128x64xf32, #tpu.memory_space<vmem>> -> memref<1x128x64xf32, #tpu.memory_space<vmem>>
    %dma_start3A_79 = tpu.memref_squeeze %dma_start3A_78 : memref<1x128x64xf32, #tpu.memory_space<vmem>> -> memref<128x64xf32, #tpu.memory_space<vmem>>
    %dma_start3A_80 = arith.constant 0 : i32
    %dma_start3A_81 = tpu.memref_slice %arg5[%dma_start3A_74, %dma_start3A_80] : memref<16x128xi32, #tpu.memory_space<vmem>> -> memref<1x128xi32, #tpu.memory_space<vmem>>
    %dma_start3A_82 = tpu.memref_squeeze %dma_start3A_81 : memref<1x128xi32, #tpu.memory_space<vmem>> -> memref<128xi32, #tpu.memory_space<vmem>>
    %dma_start3A_83 = arith.constant 0 : i32
    %dma_start3A_84 = arith.constant 0 : i32
    %dma_start3A_85 = tpu.memref_slice %arg2[%dma_start3A_83, %dma_start3A_84] : memref<512x64xf32, #tpu.memory_space<hbm>> -> memref<512x64xf32, #tpu.memory_space<hbm>>
    tpu.enqueue_indirect_dma source(%dma_start3A_85 : memref<512x64xf32, #tpu.memory_space<hbm>>) target(%dma_start3A_79 : memref<128x64xf32, #tpu.memory_space<vmem>>) offsets(%dma_start3A_82 : memref<128xi32, #tpu.memory_space<vmem>>) semaphore(%arg7 : memref<!tpu.dma_semaphore, #tpu.memory_space<semaphore_mem>>)
    %dma_start3A_86 = arith.constant 7 : i32
    %dma_start3A_87 = arith.constant 7 : i32
    %dma_start3A_88 = arith.constant 0 : i32
    %dma_start3A_89 = arith.constant 0 : i32
    %dma_start3A_90 = tpu.memref_slice %arg6[%dma_start3A_87, %dma_start3A_88, %dma_start3A_89] : memref<8x128x64xf32, #tpu.memory_space<vmem>> -> memref<1x128x64xf32, #tpu.memory_space<vmem>>
    %dma_start3A_91 = tpu.memref_squeeze %dma_start3A_90 : memref<1x128x64xf32, #tpu.memory_space<vmem>> -> memref<128x64xf32, #tpu.memory_space<vmem>>
    %dma_start3A_92 = arith.constant 0 : i32
    %dma_start3A_93 = tpu.memref_slice %arg5[%dma_start3A_86, %dma_start3A_92] : memref<16x128xi32, #tpu.memory_space<vmem>> -> memref<1x128xi32, #tpu.memory_space<vmem>>
    %dma_start3A_94 = tpu.memref_squeeze %dma_start3A_93 : memref<1x128xi32, #tpu.memory_space<vmem>> -> memref<128xi32, #tpu.memory_space<vmem>>
    %dma_start3A_95 = arith.constant 0 : i32
    %dma_start3A_96 = arith.constant 0 : i32
    %dma_start3A_97 = tpu.memref_slice %arg2[%dma_start3A_95, %dma_start3A_96] : memref<512x64xf32, #tpu.memory_space<hbm>> -> memref<512x64xf32, #tpu.memory_space<hbm>>
    tpu.enqueue_indirect_dma source(%dma_start3A_97 : memref<512x64xf32, #tpu.memory_space<hbm>>) target(%dma_start3A_91 : memref<128x64xf32, #tpu.memory_space<vmem>>) offsets(%dma_start3A_94 : memref<128xi32, #tpu.memory_space<vmem>>) semaphore(%arg7 : memref<!tpu.dma_semaphore, #tpu.memory_space<semaphore_mem>>)
    %dma_wait3A = arith.constant 0 : i32
    %dma_wait3A_98 = arith.constant 0 : i32
    %dma_wait3A_99 = arith.constant 0 : i32
    %dma_wait3A_100 = arith.constant 0 : i32
    %dma_wait3A_101 = tpu.memref_slice %arg6[%dma_wait3A_98, %dma_wait3A_99, %dma_wait3A_100] : memref<8x128x64xf32, #tpu.memory_space<vmem>> -> memref<1x128x64xf32, #tpu.memory_space<vmem>>
    %dma_wait3A_102 = tpu.memref_squeeze %dma_wait3A_101 : memref<1x128x64xf32, #tpu.memory_space<vmem>> -> memref<128x64xf32, #tpu.memory_space<vmem>>
    %dma_wait3A_103 = arith.constant 0 : i32
    %dma_wait3A_104 = tpu.memref_slice %arg5[%dma_wait3A, %dma_wait3A_103] : memref<16x128xi32, #tpu.memory_space<vmem>> -> memref<1x128xi32, #tpu.memory_space<vmem>>
    %dma_wait3A_105 = tpu.memref_squeeze %dma_wait3A_104 : memref<1x128xi32, #tpu.memory_space<vmem>> -> memref<128xi32, #tpu.memory_space<vmem>>
    %dma_wait3A_106 = arith.constant 0 : i32
    %dma_wait3A_107 = arith.constant 0 : i32
    %dma_wait3A_108 = tpu.memref_slice %arg2[%dma_wait3A_106, %dma_wait3A_107] : memref<512x64xf32, #tpu.memory_space<hbm>> -> memref<512x64xf32, #tpu.memory_space<hbm>>
    tpu.wait_indirect_dma semaphore(%arg7 : memref<!tpu.dma_semaphore, #tpu.memory_space<semaphore_mem>>) src(%dma_wait3A_108 : memref<512x64xf32, #tpu.memory_space<hbm>>) dst(%dma_wait3A_102 : memref<128x64xf32, #tpu.memory_space<vmem>>)
    %dma_wait3A_109 = arith.constant 1 : i32
    %dma_wait3A_110 = arith.constant 1 : i32
    %dma_wait3A_111 = arith.constant 0 : i32
    %dma_wait3A_112 = arith.constant 0 : i32
    %dma_wait3A_113 = tpu.memref_slice %arg6[%dma_wait3A_110, %dma_wait3A_111, %dma_wait3A_112] : memref<8x128x64xf32, #tpu.memory_space<vmem>> -> memref<1x128x64xf32, #tpu.memory_space<vmem>>
    %dma_wait3A_114 = tpu.memref_squeeze %dma_wait3A_113 : memref<1x128x64xf32, #tpu.memory_space<vmem>> -> memref<128x64xf32, #tpu.memory_space<vmem>>
    %dma_wait3A_115 = arith.constant 0 : i32
    %dma_wait3A_116 = tpu.memref_slice %arg5[%dma_wait3A_109, %dma_wait3A_115] : memref<16x128xi32, #tpu.memory_space<vmem>> -> memref<1x128xi32, #tpu.memory_space<vmem>>
    %dma_wait3A_117 = tpu.memref_squeeze %dma_wait3A_116 : memref<1x128xi32, #tpu.memory_space<vmem>> -> memref<128xi32, #tpu.memory_space<vmem>>
    %dma_wait3A_118 = arith.constant 0 : i32
    %dma_wait3A_119 = arith.constant 0 : i32
    %dma_wait3A_120 = tpu.memref_slice %arg2[%dma_wait3A_118, %dma_wait3A_119] : memref<512x64xf32, #tpu.memory_space<hbm>> -> memref<512x64xf32, #tpu.memory_space<hbm>>
    tpu.wait_indirect_dma semaphore(%arg7 : memref<!tpu.dma_semaphore, #tpu.memory_space<semaphore_mem>>) src(%dma_wait3A_120 : memref<512x64xf32, #tpu.memory_space<hbm>>) dst(%dma_wait3A_114 : memref<128x64xf32, #tpu.memory_space<vmem>>)
    %dma_wait3A_121 = arith.constant 2 : i32
    %dma_wait3A_122 = arith.constant 2 : i32
    %dma_wait3A_123 = arith.constant 0 : i32
    %dma_wait3A_124 = arith.constant 0 : i32
    %dma_wait3A_125 = tpu.memref_slice %arg6[%dma_wait3A_122, %dma_wait3A_123, %dma_wait3A_124] : memref<8x128x64xf32, #tpu.memory_space<vmem>> -> memref<1x128x64xf32, #tpu.memory_space<vmem>>
    %dma_wait3A_126 = tpu.memref_squeeze %dma_wait3A_125 : memref<1x128x64xf32, #tpu.memory_space<vmem>> -> memref<128x64xf32, #tpu.memory_space<vmem>>
    %dma_wait3A_127 = arith.constant 0 : i32
    %dma_wait3A_128 = tpu.memref_slice %arg5[%dma_wait3A_121, %dma_wait3A_127] : memref<16x128xi32, #tpu.memory_space<vmem>> -> memref<1x128xi32, #tpu.memory_space<vmem>>
    %dma_wait3A_129 = tpu.memref_squeeze %dma_wait3A_128 : memref<1x128xi32, #tpu.memory_space<vmem>> -> memref<128xi32, #tpu.memory_space<vmem>>
    %dma_wait3A_130 = arith.constant 0 : i32
    %dma_wait3A_131 = arith.constant 0 : i32
    %dma_wait3A_132 = tpu.memref_slice %arg2[%dma_wait3A_130, %dma_wait3A_131] : memref<512x64xf32, #tpu.memory_space<hbm>> -> memref<512x64xf32, #tpu.memory_space<hbm>>
    tpu.wait_indirect_dma semaphore(%arg7 : memref<!tpu.dma_semaphore, #tpu.memory_space<semaphore_mem>>) src(%dma_wait3A_132 : memref<512x64xf32, #tpu.memory_space<hbm>>) dst(%dma_wait3A_126 : memref<128x64xf32, #tpu.memory_space<vmem>>)
    %dma_wait3A_133 = arith.constant 3 : i32
    %dma_wait3A_134 = arith.constant 3 : i32
    %dma_wait3A_135 = arith.constant 0 : i32
    %dma_wait3A_136 = arith.constant 0 : i32
    %dma_wait3A_137 = tpu.memref_slice %arg6[%dma_wait3A_134, %dma_wait3A_135, %dma_wait3A_136] : memref<8x128x64xf32, #tpu.memory_space<vmem>> -> memref<1x128x64xf32, #tpu.memory_space<vmem>>
    %dma_wait3A_138 = tpu.memref_squeeze %dma_wait3A_137 : memref<1x128x64xf32, #tpu.memory_space<vmem>> -> memref<128x64xf32, #tpu.memory_space<vmem>>
    %dma_wait3A_139 = arith.constant 0 : i32
    %dma_wait3A_140 = tpu.memref_slice %arg5[%dma_wait3A_133, %dma_wait3A_139] : memref<16x128xi32, #tpu.memory_space<vmem>> -> memref<1x128xi32, #tpu.memory_space<vmem>>
    %dma_wait3A_141 = tpu.memref_squeeze %dma_wait3A_140 : memref<1x128xi32, #tpu.memory_space<vmem>> -> memref<128xi32, #tpu.memory_space<vmem>>
    %dma_wait3A_142 = arith.constant 0 : i32
    %dma_wait3A_143 = arith.constant 0 : i32
    %dma_wait3A_144 = tpu.memref_slice %arg2[%dma_wait3A_142, %dma_wait3A_143] : memref<512x64xf32, #tpu.memory_space<hbm>> -> memref<512x64xf32, #tpu.memory_space<hbm>>
    tpu.wait_indirect_dma semaphore(%arg7 : memref<!tpu.dma_semaphore, #tpu.memory_space<semaphore_mem>>) src(%dma_wait3A_144 : memref<512x64xf32, #tpu.memory_space<hbm>>) dst(%dma_wait3A_138 : memref<128x64xf32, #tpu.memory_space<vmem>>)
    %dma_wait3A_145 = arith.constant 4 : i32
    %dma_wait3A_146 = arith.constant 4 : i32
    %dma_wait3A_147 = arith.constant 0 : i32
    %dma_wait3A_148 = arith.constant 0 : i32
    %dma_wait3A_149 = tpu.memref_slice %arg6[%dma_wait3A_146, %dma_wait3A_147, %dma_wait3A_148] : memref<8x128x64xf32, #tpu.memory_space<vmem>> -> memref<1x128x64xf32, #tpu.memory_space<vmem>>
    %dma_wait3A_150 = tpu.memref_squeeze %dma_wait3A_149 : memref<1x128x64xf32, #tpu.memory_space<vmem>> -> memref<128x64xf32, #tpu.memory_space<vmem>>
    %dma_wait3A_151 = arith.constant 0 : i32
    %dma_wait3A_152 = tpu.memref_slice %arg5[%dma_wait3A_145, %dma_wait3A_151] : memref<16x128xi32, #tpu.memory_space<vmem>> -> memref<1x128xi32, #tpu.memory_space<vmem>>
    %dma_wait3A_153 = tpu.memref_squeeze %dma_wait3A_152 : memref<1x128xi32, #tpu.memory_space<vmem>> -> memref<128xi32, #tpu.memory_space<vmem>>
    %dma_wait3A_154 = arith.constant 0 : i32
    %dma_wait3A_155 = arith.constant 0 : i32
    %dma_wait3A_156 = tpu.memref_slice %arg2[%dma_wait3A_154, %dma_wait3A_155] : memref<512x64xf32, #tpu.memory_space<hbm>> -> memref<512x64xf32, #tpu.memory_space<hbm>>
    tpu.wait_indirect_dma semaphore(%arg7 : memref<!tpu.dma_semaphore, #tpu.memory_space<semaphore_mem>>) src(%dma_wait3A_156 : memref<512x64xf32, #tpu.memory_space<hbm>>) dst(%dma_wait3A_150 : memref<128x64xf32, #tpu.memory_space<vmem>>)
    %dma_wait3A_157 = arith.constant 5 : i32
    %dma_wait3A_158 = arith.constant 5 : i32
    %dma_wait3A_159 = arith.constant 0 : i32
    %dma_wait3A_160 = arith.constant 0 : i32
    %dma_wait3A_161 = tpu.memref_slice %arg6[%dma_wait3A_158, %dma_wait3A_159, %dma_wait3A_160] : memref<8x128x64xf32, #tpu.memory_space<vmem>> -> memref<1x128x64xf32, #tpu.memory_space<vmem>>
    %dma_wait3A_162 = tpu.memref_squeeze %dma_wait3A_161 : memref<1x128x64xf32, #tpu.memory_space<vmem>> -> memref<128x64xf32, #tpu.memory_space<vmem>>
    %dma_wait3A_163 = arith.constant 0 : i32
    %dma_wait3A_164 = tpu.memref_slice %arg5[%dma_wait3A_157, %dma_wait3A_163] : memref<16x128xi32, #tpu.memory_space<vmem>> -> memref<1x128xi32, #tpu.memory_space<vmem>>
    %dma_wait3A_165 = tpu.memref_squeeze %dma_wait3A_164 : memref<1x128xi32, #tpu.memory_space<vmem>> -> memref<128xi32, #tpu.memory_space<vmem>>
    %dma_wait3A_166 = arith.constant 0 : i32
    %dma_wait3A_167 = arith.constant 0 : i32
    %dma_wait3A_168 = tpu.memref_slice %arg2[%dma_wait3A_166, %dma_wait3A_167] : memref<512x64xf32, #tpu.memory_space<hbm>> -> memref<512x64xf32, #tpu.memory_space<hbm>>
    tpu.wait_indirect_dma semaphore(%arg7 : memref<!tpu.dma_semaphore, #tpu.memory_space<semaphore_mem>>) src(%dma_wait3A_168 : memref<512x64xf32, #tpu.memory_space<hbm>>) dst(%dma_wait3A_162 : memref<128x64xf32, #tpu.memory_space<vmem>>)
    %dma_wait3A_169 = arith.constant 6 : i32
    %dma_wait3A_170 = arith.constant 6 : i32
    %dma_wait3A_171 = arith.constant 0 : i32
    %dma_wait3A_172 = arith.constant 0 : i32
    %dma_wait3A_173 = tpu.memref_slice %arg6[%dma_wait3A_170, %dma_wait3A_171, %dma_wait3A_172] : memref<8x128x64xf32, #tpu.memory_space<vmem>> -> memref<1x128x64xf32, #tpu.memory_space<vmem>>
    %dma_wait3A_174 = tpu.memref_squeeze %dma_wait3A_173 : memref<1x128x64xf32, #tpu.memory_space<vmem>> -> memref<128x64xf32, #tpu.memory_space<vmem>>
    %dma_wait3A_175 = arith.constant 0 : i32
    %dma_wait3A_176 = tpu.memref_slice %arg5[%dma_wait3A_169, %dma_wait3A_175] : memref<16x128xi32, #tpu.memory_space<vmem>> -> memref<1x128xi32, #tpu.memory_space<vmem>>
    %dma_wait3A_177 = tpu.memref_squeeze %dma_wait3A_176 : memref<1x128xi32, #tpu.memory_space<vmem>> -> memref<128xi32, #tpu.memory_space<vmem>>
    %dma_wait3A_178 = arith.constant 0 : i32
    %dma_wait3A_179 = arith.constant 0 : i32
    %dma_wait3A_180 = tpu.memref_slice %arg2[%dma_wait3A_178, %dma_wait3A_179] : memref<512x64xf32, #tpu.memory_space<hbm>> -> memref<512x64xf32, #tpu.memory_space<hbm>>
    tpu.wait_indirect_dma semaphore(%arg7 : memref<!tpu.dma_semaphore, #tpu.memory_space<semaphore_mem>>) src(%dma_wait3A_180 : memref<512x64xf32, #tpu.memory_space<hbm>>) dst(%dma_wait3A_174 : memref<128x64xf32, #tpu.memory_space<vmem>>)
    %dma_wait3A_181 = arith.constant 7 : i32
    %dma_wait3A_182 = arith.constant 7 : i32
    %dma_wait3A_183 = arith.constant 0 : i32
    %dma_wait3A_184 = arith.constant 0 : i32
    %dma_wait3A_185 = tpu.memref_slice %arg6[%dma_wait3A_182, %dma_wait3A_183, %dma_wait3A_184] : memref<8x128x64xf32, #tpu.memory_space<vmem>> -> memref<1x128x64xf32, #tpu.memory_space<vmem>>
    %dma_wait3A_186 = tpu.memref_squeeze %dma_wait3A_185 : memref<1x128x64xf32, #tpu.memory_space<vmem>> -> memref<128x64xf32, #tpu.memory_space<vmem>>
    %dma_wait3A_187 = arith.constant 0 : i32
    %dma_wait3A_188 = tpu.memref_slice %arg5[%dma_wait3A_181, %dma_wait3A_187] : memref<16x128xi32, #tpu.memory_space<vmem>> -> memref<1x128xi32, #tpu.memory_space<vmem>>
    %dma_wait3A_189 = tpu.memref_squeeze %dma_wait3A_188 : memref<1x128xi32, #tpu.memory_space<vmem>> -> memref<128xi32, #tpu.memory_space<vmem>>
    %dma_wait3A_190 = arith.constant 0 : i32
    %dma_wait3A_191 = arith.constant 0 : i32
    %dma_wait3A_192 = tpu.memref_slice %arg2[%dma_wait3A_190, %dma_wait3A_191] : memref<512x64xf32, #tpu.memory_space<hbm>> -> memref<512x64xf32, #tpu.memory_space<hbm>>
    tpu.wait_indirect_dma semaphore(%arg7 : memref<!tpu.dma_semaphore, #tpu.memory_space<semaphore_mem>>) src(%dma_wait3A_192 : memref<512x64xf32, #tpu.memory_space<hbm>>) dst(%dma_wait3A_186 : memref<128x64xf32, #tpu.memory_space<vmem>>)
    %add3A_193 = arith.constant 0 : i32
    %add3A_194 = arith.addi %mul3A_2, %add3A_193 : i32
    "tpu.region"() ({
      %run_scoped3A = tpu.sem_alloc : memref<!tpu.dma_semaphore, #tpu.memory_space<semaphore_mem>>
      %dma_start3A_389 = arith.constant 0 : i32
      %dma_start3A_390 = arith.constant 0 : i32
      %dma_start3A_391 = tpu.memref_slice %arg4[%add3A_194, %dma_start3A_389, %dma_start3A_390] : memref<512x128x64xf32, #tpu.memory_space<hbm>> -> memref<8x128x64xf32, #tpu.memory_space<hbm>>
      %dma_start3A_392 = arith.constant 0 : i32
      %dma_start3A_393 = arith.constant 0 : i32
      %dma_start3A_394 = tpu.memref_slice %arg4[%add3A_194, %dma_start3A_392, %dma_start3A_393] : memref<512x128x64xf32, #tpu.memory_space<hbm>> -> memref<8x128x64xf32, #tpu.memory_space<hbm>>
      tpu.enqueue_dma source(%arg6 : memref<8x128x64xf32, #tpu.memory_space<vmem>>) target(%dma_start3A_394 : memref<8x128x64xf32, #tpu.memory_space<hbm>>) target_semaphore(%run_scoped3A : memref<!tpu.dma_semaphore, #tpu.memory_space<semaphore_mem>>)
      %dma_wait3A_395 = arith.constant 0 : i32
      %dma_wait3A_396 = arith.constant 0 : i32
      %dma_wait3A_397 = tpu.memref_slice %arg4[%add3A_194, %dma_wait3A_395, %dma_wait3A_396] : memref<512x128x64xf32, #tpu.memory_space<hbm>> -> memref<8x128x64xf32, #tpu.memory_space<hbm>>
      %dma_wait3A_398 = arith.constant 0 : i32
      %dma_wait3A_399 = arith.constant 0 : i32
      %dma_wait3A_400 = tpu.memref_slice %arg4[%add3A_194, %dma_wait3A_398, %dma_wait3A_399] : memref<512x128x64xf32, #tpu.memory_space<hbm>> -> memref<8x128x64xf32, #tpu.memory_space<hbm>>
      tpu.wait_dma2 semaphore(%run_scoped3A : memref<!tpu.dma_semaphore, #tpu.memory_space<semaphore_mem>>) src(%arg6 : memref<8x128x64xf32, #tpu.memory_space<vmem>>) dst(%dma_wait3A_400 : memref<8x128x64xf32, #tpu.memory_space<hbm>>)
      tpu.yield
    }) : () -> ()
    %dma_start3A_195 = arith.constant 8 : i32
    %dma_start3A_196 = arith.constant 0 : i32
    %dma_start3A_197 = arith.constant 0 : i32
    %dma_start3A_198 = arith.constant 0 : i32
    %dma_start3A_199 = tpu.memref_slice %arg6[%dma_start3A_196, %dma_start3A_197, %dma_start3A_198] : memref<8x128x64xf32, #tpu.memory_space<vmem>> -> memref<1x128x64xf32, #tpu.memory_space<vmem>>
    %dma_start3A_200 = tpu.memref_squeeze %dma_start3A_199 : memref<1x128x64xf32, #tpu.memory_space<vmem>> -> memref<128x64xf32, #tpu.memory_space<vmem>>
    %dma_start3A_201 = arith.constant 0 : i32
    %dma_start3A_202 = tpu.memref_slice %arg5[%dma_start3A_195, %dma_start3A_201] : memref<16x128xi32, #tpu.memory_space<vmem>> -> memref<1x128xi32, #tpu.memory_space<vmem>>
    %dma_start3A_203 = tpu.memref_squeeze %dma_start3A_202 : memref<1x128xi32, #tpu.memory_space<vmem>> -> memref<128xi32, #tpu.memory_space<vmem>>
    %dma_start3A_204 = arith.constant 0 : i32
    %dma_start3A_205 = arith.constant 0 : i32
    %dma_start3A_206 = tpu.memref_slice %arg2[%dma_start3A_204, %dma_start3A_205] : memref<512x64xf32, #tpu.memory_space<hbm>> -> memref<512x64xf32, #tpu.memory_space<hbm>>
    tpu.enqueue_indirect_dma source(%dma_start3A_206 : memref<512x64xf32, #tpu.memory_space<hbm>>) target(%dma_start3A_200 : memref<128x64xf32, #tpu.memory_space<vmem>>) offsets(%dma_start3A_203 : memref<128xi32, #tpu.memory_space<vmem>>) semaphore(%arg7 : memref<!tpu.dma_semaphore, #tpu.memory_space<semaphore_mem>>)
    %dma_start3A_207 = arith.constant 9 : i32
    %dma_start3A_208 = arith.constant 1 : i32
    %dma_start3A_209 = arith.constant 0 : i32
    %dma_start3A_210 = arith.constant 0 : i32
    %dma_start3A_211 = tpu.memref_slice %arg6[%dma_start3A_208, %dma_start3A_209, %dma_start3A_210] : memref<8x128x64xf32, #tpu.memory_space<vmem>> -> memref<1x128x64xf32, #tpu.memory_space<vmem>>
    %dma_start3A_212 = tpu.memref_squeeze %dma_start3A_211 : memref<1x128x64xf32, #tpu.memory_space<vmem>> -> memref<128x64xf32, #tpu.memory_space<vmem>>
    %dma_start3A_213 = arith.constant 0 : i32
    %dma_start3A_214 = tpu.memref_slice %arg5[%dma_start3A_207, %dma_start3A_213] : memref<16x128xi32, #tpu.memory_space<vmem>> -> memref<1x128xi32, #tpu.memory_space<vmem>>
    %dma_start3A_215 = tpu.memref_squeeze %dma_start3A_214 : memref<1x128xi32, #tpu.memory_space<vmem>> -> memref<128xi32, #tpu.memory_space<vmem>>
    %dma_start3A_216 = arith.constant 0 : i32
    %dma_start3A_217 = arith.constant 0 : i32
    %dma_start3A_218 = tpu.memref_slice %arg2[%dma_start3A_216, %dma_start3A_217] : memref<512x64xf32, #tpu.memory_space<hbm>> -> memref<512x64xf32, #tpu.memory_space<hbm>>
    tpu.enqueue_indirect_dma source(%dma_start3A_218 : memref<512x64xf32, #tpu.memory_space<hbm>>) target(%dma_start3A_212 : memref<128x64xf32, #tpu.memory_space<vmem>>) offsets(%dma_start3A_215 : memref<128xi32, #tpu.memory_space<vmem>>) semaphore(%arg7 : memref<!tpu.dma_semaphore, #tpu.memory_space<semaphore_mem>>)
    %dma_start3A_219 = arith.constant 10 : i32
    %dma_start3A_220 = arith.constant 2 : i32
    %dma_start3A_221 = arith.constant 0 : i32
    %dma_start3A_222 = arith.constant 0 : i32
    %dma_start3A_223 = tpu.memref_slice %arg6[%dma_start3A_220, %dma_start3A_221, %dma_start3A_222] : memref<8x128x64xf32, #tpu.memory_space<vmem>> -> memref<1x128x64xf32, #tpu.memory_space<vmem>>
    %dma_start3A_224 = tpu.memref_squeeze %dma_start3A_223 : memref<1x128x64xf32, #tpu.memory_space<vmem>> -> memref<128x64xf32, #tpu.memory_space<vmem>>
    %dma_start3A_225 = arith.constant 0 : i32
    %dma_start3A_226 = tpu.memref_slice %arg5[%dma_start3A_219, %dma_start3A_225] : memref<16x128xi32, #tpu.memory_space<vmem>> -> memref<1x128xi32, #tpu.memory_space<vmem>>
    %dma_start3A_227 = tpu.memref_squeeze %dma_start3A_226 : memref<1x128xi32, #tpu.memory_space<vmem>> -> memref<128xi32, #tpu.memory_space<vmem>>
    %dma_start3A_228 = arith.constant 0 : i32
    %dma_start3A_229 = arith.constant 0 : i32
    %dma_start3A_230 = tpu.memref_slice %arg2[%dma_start3A_228, %dma_start3A_229] : memref<512x64xf32, #tpu.memory_space<hbm>> -> memref<512x64xf32, #tpu.memory_space<hbm>>
    tpu.enqueue_indirect_dma source(%dma_start3A_230 : memref<512x64xf32, #tpu.memory_space<hbm>>) target(%dma_start3A_224 : memref<128x64xf32, #tpu.memory_space<vmem>>) offsets(%dma_start3A_227 : memref<128xi32, #tpu.memory_space<vmem>>) semaphore(%arg7 : memref<!tpu.dma_semaphore, #tpu.memory_space<semaphore_mem>>)
    %dma_start3A_231 = arith.constant 11 : i32
    %dma_start3A_232 = arith.constant 3 : i32
    %dma_start3A_233 = arith.constant 0 : i32
    %dma_start3A_234 = arith.constant 0 : i32
    %dma_start3A_235 = tpu.memref_slice %arg6[%dma_start3A_232, %dma_start3A_233, %dma_start3A_234] : memref<8x128x64xf32, #tpu.memory_space<vmem>> -> memref<1x128x64xf32, #tpu.memory_space<vmem>>
    %dma_start3A_236 = tpu.memref_squeeze %dma_start3A_235 : memref<1x128x64xf32, #tpu.memory_space<vmem>> -> memref<128x64xf32, #tpu.memory_space<vmem>>
    %dma_start3A_237 = arith.constant 0 : i32
    %dma_start3A_238 = tpu.memref_slice %arg5[%dma_start3A_231, %dma_start3A_237] : memref<16x128xi32, #tpu.memory_space<vmem>> -> memref<1x128xi32, #tpu.memory_space<vmem>>
    %dma_start3A_239 = tpu.memref_squeeze %dma_start3A_238 : memref<1x128xi32, #tpu.memory_space<vmem>> -> memref<128xi32, #tpu.memory_space<vmem>>
    %dma_start3A_240 = arith.constant 0 : i32
    %dma_start3A_241 = arith.constant 0 : i32
    %dma_start3A_242 = tpu.memref_slice %arg2[%dma_start3A_240, %dma_start3A_241] : memref<512x64xf32, #tpu.memory_space<hbm>> -> memref<512x64xf32, #tpu.memory_space<hbm>>
    tpu.enqueue_indirect_dma source(%dma_start3A_242 : memref<512x64xf32, #tpu.memory_space<hbm>>) target(%dma_start3A_236 : memref<128x64xf32, #tpu.memory_space<vmem>>) offsets(%dma_start3A_239 : memref<128xi32, #tpu.memory_space<vmem>>) semaphore(%arg7 : memref<!tpu.dma_semaphore, #tpu.memory_space<semaphore_mem>>)
    %dma_start3A_243 = arith.constant 12 : i32
    %dma_start3A_244 = arith.constant 4 : i32
    %dma_start3A_245 = arith.constant 0 : i32
    %dma_start3A_246 = arith.constant 0 : i32
    %dma_start3A_247 = tpu.memref_slice %arg6[%dma_start3A_244, %dma_start3A_245, %dma_start3A_246] : memref<8x128x64xf32, #tpu.memory_space<vmem>> -> memref<1x128x64xf32, #tpu.memory_space<vmem>>
    %dma_start3A_248 = tpu.memref_squeeze %dma_start3A_247 : memref<1x128x64xf32, #tpu.memory_space<vmem>> -> memref<128x64xf32, #tpu.memory_space<vmem>>
    %dma_start3A_249 = arith.constant 0 : i32
    %dma_start3A_250 = tpu.memref_slice %arg5[%dma_start3A_243, %dma_start3A_249] : memref<16x128xi32, #tpu.memory_space<vmem>> -> memref<1x128xi32, #tpu.memory_space<vmem>>
    %dma_start3A_251 = tpu.memref_squeeze %dma_start3A_250 : memref<1x128xi32, #tpu.memory_space<vmem>> -> memref<128xi32, #tpu.memory_space<vmem>>
    %dma_start3A_252 = arith.constant 0 : i32
    %dma_start3A_253 = arith.constant 0 : i32
    %dma_start3A_254 = tpu.memref_slice %arg2[%dma_start3A_252, %dma_start3A_253] : memref<512x64xf32, #tpu.memory_space<hbm>> -> memref<512x64xf32, #tpu.memory_space<hbm>>
    tpu.enqueue_indirect_dma source(%dma_start3A_254 : memref<512x64xf32, #tpu.memory_space<hbm>>) target(%dma_start3A_248 : memref<128x64xf32, #tpu.memory_space<vmem>>) offsets(%dma_start3A_251 : memref<128xi32, #tpu.memory_space<vmem>>) semaphore(%arg7 : memref<!tpu.dma_semaphore, #tpu.memory_space<semaphore_mem>>)
    %dma_start3A_255 = arith.constant 13 : i32
    %dma_start3A_256 = arith.constant 5 : i32
    %dma_start3A_257 = arith.constant 0 : i32
    %dma_start3A_258 = arith.constant 0 : i32
    %dma_start3A_259 = tpu.memref_slice %arg6[%dma_start3A_256, %dma_start3A_257, %dma_start3A_258] : memref<8x128x64xf32, #tpu.memory_space<vmem>> -> memref<1x128x64xf32, #tpu.memory_space<vmem>>
    %dma_start3A_260 = tpu.memref_squeeze %dma_start3A_259 : memref<1x128x64xf32, #tpu.memory_space<vmem>> -> memref<128x64xf32, #tpu.memory_space<vmem>>
    %dma_start3A_261 = arith.constant 0 : i32
    %dma_start3A_262 = tpu.memref_slice %arg5[%dma_start3A_255, %dma_start3A_261] : memref<16x128xi32, #tpu.memory_space<vmem>> -> memref<1x128xi32, #tpu.memory_space<vmem>>
    %dma_start3A_263 = tpu.memref_squeeze %dma_start3A_262 : memref<1x128xi32, #tpu.memory_space<vmem>> -> memref<128xi32, #tpu.memory_space<vmem>>
    %dma_start3A_264 = arith.constant 0 : i32
    %dma_start3A_265 = arith.constant 0 : i32
    %dma_start3A_266 = tpu.memref_slice %arg2[%dma_start3A_264, %dma_start3A_265] : memref<512x64xf32, #tpu.memory_space<hbm>> -> memref<512x64xf32, #tpu.memory_space<hbm>>
    tpu.enqueue_indirect_dma source(%dma_start3A_266 : memref<512x64xf32, #tpu.memory_space<hbm>>) target(%dma_start3A_260 : memref<128x64xf32, #tpu.memory_space<vmem>>) offsets(%dma_start3A_263 : memref<128xi32, #tpu.memory_space<vmem>>) semaphore(%arg7 : memref<!tpu.dma_semaphore, #tpu.memory_space<semaphore_mem>>)
    %dma_start3A_267 = arith.constant 14 : i32
    %dma_start3A_268 = arith.constant 6 : i32
    %dma_start3A_269 = arith.constant 0 : i32
    %dma_start3A_270 = arith.constant 0 : i32
    %dma_start3A_271 = tpu.memref_slice %arg6[%dma_start3A_268, %dma_start3A_269, %dma_start3A_270] : memref<8x128x64xf32, #tpu.memory_space<vmem>> -> memref<1x128x64xf32, #tpu.memory_space<vmem>>
    %dma_start3A_272 = tpu.memref_squeeze %dma_start3A_271 : memref<1x128x64xf32, #tpu.memory_space<vmem>> -> memref<128x64xf32, #tpu.memory_space<vmem>>
    %dma_start3A_273 = arith.constant 0 : i32
    %dma_start3A_274 = tpu.memref_slice %arg5[%dma_start3A_267, %dma_start3A_273] : memref<16x128xi32, #tpu.memory_space<vmem>> -> memref<1x128xi32, #tpu.memory_space<vmem>>
    %dma_start3A_275 = tpu.memref_squeeze %dma_start3A_274 : memref<1x128xi32, #tpu.memory_space<vmem>> -> memref<128xi32, #tpu.memory_space<vmem>>
    %dma_start3A_276 = arith.constant 0 : i32
    %dma_start3A_277 = arith.constant 0 : i32
    %dma_start3A_278 = tpu.memref_slice %arg2[%dma_start3A_276, %dma_start3A_277] : memref<512x64xf32, #tpu.memory_space<hbm>> -> memref<512x64xf32, #tpu.memory_space<hbm>>
    tpu.enqueue_indirect_dma source(%dma_start3A_278 : memref<512x64xf32, #tpu.memory_space<hbm>>) target(%dma_start3A_272 : memref<128x64xf32, #tpu.memory_space<vmem>>) offsets(%dma_start3A_275 : memref<128xi32, #tpu.memory_space<vmem>>) semaphore(%arg7 : memref<!tpu.dma_semaphore, #tpu.memory_space<semaphore_mem>>)
    %dma_start3A_279 = arith.constant 15 : i32
    %dma_start3A_280 = arith.constant 7 : i32
    %dma_start3A_281 = arith.constant 0 : i32
    %dma_start3A_282 = arith.constant 0 : i32
    %dma_start3A_283 = tpu.memref_slice %arg6[%dma_start3A_280, %dma_start3A_281, %dma_start3A_282] : memref<8x128x64xf32, #tpu.memory_space<vmem>> -> memref<1x128x64xf32, #tpu.memory_space<vmem>>
    %dma_start3A_284 = tpu.memref_squeeze %dma_start3A_283 : memref<1x128x64xf32, #tpu.memory_space<vmem>> -> memref<128x64xf32, #tpu.memory_space<vmem>>
    %dma_start3A_285 = arith.constant 0 : i32
    %dma_start3A_286 = tpu.memref_slice %arg5[%dma_start3A_279, %dma_start3A_285] : memref<16x128xi32, #tpu.memory_space<vmem>> -> memref<1x128xi32, #tpu.memory_space<vmem>>
    %dma_start3A_287 = tpu.memref_squeeze %dma_start3A_286 : memref<1x128xi32, #tpu.memory_space<vmem>> -> memref<128xi32, #tpu.memory_space<vmem>>
    %dma_start3A_288 = arith.constant 0 : i32
    %dma_start3A_289 = arith.constant 0 : i32
    %dma_start3A_290 = tpu.memref_slice %arg2[%dma_start3A_288, %dma_start3A_289] : memref<512x64xf32, #tpu.memory_space<hbm>> -> memref<512x64xf32, #tpu.memory_space<hbm>>
    tpu.enqueue_indirect_dma source(%dma_start3A_290 : memref<512x64xf32, #tpu.memory_space<hbm>>) target(%dma_start3A_284 : memref<128x64xf32, #tpu.memory_space<vmem>>) offsets(%dma_start3A_287 : memref<128xi32, #tpu.memory_space<vmem>>) semaphore(%arg7 : memref<!tpu.dma_semaphore, #tpu.memory_space<semaphore_mem>>)
    %dma_wait3A_291 = arith.constant 8 : i32
    %dma_wait3A_292 = arith.constant 0 : i32
    %dma_wait3A_293 = arith.constant 0 : i32
    %dma_wait3A_294 = arith.constant 0 : i32
    %dma_wait3A_295 = tpu.memref_slice %arg6[%dma_wait3A_292, %dma_wait3A_293, %dma_wait3A_294] : memref<8x128x64xf32, #tpu.memory_space<vmem>> -> memref<1x128x64xf32, #tpu.memory_space<vmem>>
    %dma_wait3A_296 = tpu.memref_squeeze %dma_wait3A_295 : memref<1x128x64xf32, #tpu.memory_space<vmem>> -> memref<128x64xf32, #tpu.memory_space<vmem>>
    %dma_wait3A_297 = arith.constant 0 : i32
    %dma_wait3A_298 = tpu.memref_slice %arg5[%dma_wait3A_291, %dma_wait3A_297] : memref<16x128xi32, #tpu.memory_space<vmem>> -> memref<1x128xi32, #tpu.memory_space<vmem>>
    %dma_wait3A_299 = tpu.memref_squeeze %dma_wait3A_298 : memref<1x128xi32, #tpu.memory_space<vmem>> -> memref<128xi32, #tpu.memory_space<vmem>>
    %dma_wait3A_300 = arith.constant 0 : i32
    %dma_wait3A_301 = arith.constant 0 : i32
    %dma_wait3A_302 = tpu.memref_slice %arg2[%dma_wait3A_300, %dma_wait3A_301] : memref<512x64xf32, #tpu.memory_space<hbm>> -> memref<512x64xf32, #tpu.memory_space<hbm>>
    tpu.wait_indirect_dma semaphore(%arg7 : memref<!tpu.dma_semaphore, #tpu.memory_space<semaphore_mem>>) src(%dma_wait3A_302 : memref<512x64xf32, #tpu.memory_space<hbm>>) dst(%dma_wait3A_296 : memref<128x64xf32, #tpu.memory_space<vmem>>)
    %dma_wait3A_303 = arith.constant 9 : i32
    %dma_wait3A_304 = arith.constant 1 : i32
    %dma_wait3A_305 = arith.constant 0 : i32
    %dma_wait3A_306 = arith.constant 0 : i32
    %dma_wait3A_307 = tpu.memref_slice %arg6[%dma_wait3A_304, %dma_wait3A_305, %dma_wait3A_306] : memref<8x128x64xf32, #tpu.memory_space<vmem>> -> memref<1x128x64xf32, #tpu.memory_space<vmem>>
    %dma_wait3A_308 = tpu.memref_squeeze %dma_wait3A_307 : memref<1x128x64xf32, #tpu.memory_space<vmem>> -> memref<128x64xf32, #tpu.memory_space<vmem>>
    %dma_wait3A_309 = arith.constant 0 : i32
    %dma_wait3A_310 = tpu.memref_slice %arg5[%dma_wait3A_303, %dma_wait3A_309] : memref<16x128xi32, #tpu.memory_space<vmem>> -> memref<1x128xi32, #tpu.memory_space<vmem>>
    %dma_wait3A_311 = tpu.memref_squeeze %dma_wait3A_310 : memref<1x128xi32, #tpu.memory_space<vmem>> -> memref<128xi32, #tpu.memory_space<vmem>>
    %dma_wait3A_312 = arith.constant 0 : i32
    %dma_wait3A_313 = arith.constant 0 : i32
    %dma_wait3A_314 = tpu.memref_slice %arg2[%dma_wait3A_312, %dma_wait3A_313] : memref<512x64xf32, #tpu.memory_space<hbm>> -> memref<512x64xf32, #tpu.memory_space<hbm>>
    tpu.wait_indirect_dma semaphore(%arg7 : memref<!tpu.dma_semaphore, #tpu.memory_space<semaphore_mem>>) src(%dma_wait3A_314 : memref<512x64xf32, #tpu.memory_space<hbm>>) dst(%dma_wait3A_308 : memref<128x64xf32, #tpu.memory_space<vmem>>)
    %dma_wait3A_315 = arith.constant 10 : i32
    %dma_wait3A_316 = arith.constant 2 : i32
    %dma_wait3A_317 = arith.constant 0 : i32
    %dma_wait3A_318 = arith.constant 0 : i32
    %dma_wait3A_319 = tpu.memref_slice %arg6[%dma_wait3A_316, %dma_wait3A_317, %dma_wait3A_318] : memref<8x128x64xf32, #tpu.memory_space<vmem>> -> memref<1x128x64xf32, #tpu.memory_space<vmem>>
    %dma_wait3A_320 = tpu.memref_squeeze %dma_wait3A_319 : memref<1x128x64xf32, #tpu.memory_space<vmem>> -> memref<128x64xf32, #tpu.memory_space<vmem>>
    %dma_wait3A_321 = arith.constant 0 : i32
    %dma_wait3A_322 = tpu.memref_slice %arg5[%dma_wait3A_315, %dma_wait3A_321] : memref<16x128xi32, #tpu.memory_space<vmem>> -> memref<1x128xi32, #tpu.memory_space<vmem>>
    %dma_wait3A_323 = tpu.memref_squeeze %dma_wait3A_322 : memref<1x128xi32, #tpu.memory_space<vmem>> -> memref<128xi32, #tpu.memory_space<vmem>>
    %dma_wait3A_324 = arith.constant 0 : i32
    %dma_wait3A_325 = arith.constant 0 : i32
    %dma_wait3A_326 = tpu.memref_slice %arg2[%dma_wait3A_324, %dma_wait3A_325] : memref<512x64xf32, #tpu.memory_space<hbm>> -> memref<512x64xf32, #tpu.memory_space<hbm>>
    tpu.wait_indirect_dma semaphore(%arg7 : memref<!tpu.dma_semaphore, #tpu.memory_space<semaphore_mem>>) src(%dma_wait3A_326 : memref<512x64xf32, #tpu.memory_space<hbm>>) dst(%dma_wait3A_320 : memref<128x64xf32, #tpu.memory_space<vmem>>)
    %dma_wait3A_327 = arith.constant 11 : i32
    %dma_wait3A_328 = arith.constant 3 : i32
    %dma_wait3A_329 = arith.constant 0 : i32
    %dma_wait3A_330 = arith.constant 0 : i32
    %dma_wait3A_331 = tpu.memref_slice %arg6[%dma_wait3A_328, %dma_wait3A_329, %dma_wait3A_330] : memref<8x128x64xf32, #tpu.memory_space<vmem>> -> memref<1x128x64xf32, #tpu.memory_space<vmem>>
    %dma_wait3A_332 = tpu.memref_squeeze %dma_wait3A_331 : memref<1x128x64xf32, #tpu.memory_space<vmem>> -> memref<128x64xf32, #tpu.memory_space<vmem>>
    %dma_wait3A_333 = arith.constant 0 : i32
    %dma_wait3A_334 = tpu.memref_slice %arg5[%dma_wait3A_327, %dma_wait3A_333] : memref<16x128xi32, #tpu.memory_space<vmem>> -> memref<1x128xi32, #tpu.memory_space<vmem>>
    %dma_wait3A_335 = tpu.memref_squeeze %dma_wait3A_334 : memref<1x128xi32, #tpu.memory_space<vmem>> -> memref<128xi32, #tpu.memory_space<vmem>>
    %dma_wait3A_336 = arith.constant 0 : i32
    %dma_wait3A_337 = arith.constant 0 : i32
    %dma_wait3A_338 = tpu.memref_slice %arg2[%dma_wait3A_336, %dma_wait3A_337] : memref<512x64xf32, #tpu.memory_space<hbm>> -> memref<512x64xf32, #tpu.memory_space<hbm>>
    tpu.wait_indirect_dma semaphore(%arg7 : memref<!tpu.dma_semaphore, #tpu.memory_space<semaphore_mem>>) src(%dma_wait3A_338 : memref<512x64xf32, #tpu.memory_space<hbm>>) dst(%dma_wait3A_332 : memref<128x64xf32, #tpu.memory_space<vmem>>)
    %dma_wait3A_339 = arith.constant 12 : i32
    %dma_wait3A_340 = arith.constant 4 : i32
    %dma_wait3A_341 = arith.constant 0 : i32
    %dma_wait3A_342 = arith.constant 0 : i32
    %dma_wait3A_343 = tpu.memref_slice %arg6[%dma_wait3A_340, %dma_wait3A_341, %dma_wait3A_342] : memref<8x128x64xf32, #tpu.memory_space<vmem>> -> memref<1x128x64xf32, #tpu.memory_space<vmem>>
    %dma_wait3A_344 = tpu.memref_squeeze %dma_wait3A_343 : memref<1x128x64xf32, #tpu.memory_space<vmem>> -> memref<128x64xf32, #tpu.memory_space<vmem>>
    %dma_wait3A_345 = arith.constant 0 : i32
    %dma_wait3A_346 = tpu.memref_slice %arg5[%dma_wait3A_339, %dma_wait3A_345] : memref<16x128xi32, #tpu.memory_space<vmem>> -> memref<1x128xi32, #tpu.memory_space<vmem>>
    %dma_wait3A_347 = tpu.memref_squeeze %dma_wait3A_346 : memref<1x128xi32, #tpu.memory_space<vmem>> -> memref<128xi32, #tpu.memory_space<vmem>>
    %dma_wait3A_348 = arith.constant 0 : i32
    %dma_wait3A_349 = arith.constant 0 : i32
    %dma_wait3A_350 = tpu.memref_slice %arg2[%dma_wait3A_348, %dma_wait3A_349] : memref<512x64xf32, #tpu.memory_space<hbm>> -> memref<512x64xf32, #tpu.memory_space<hbm>>
    tpu.wait_indirect_dma semaphore(%arg7 : memref<!tpu.dma_semaphore, #tpu.memory_space<semaphore_mem>>) src(%dma_wait3A_350 : memref<512x64xf32, #tpu.memory_space<hbm>>) dst(%dma_wait3A_344 : memref<128x64xf32, #tpu.memory_space<vmem>>)
    %dma_wait3A_351 = arith.constant 13 : i32
    %dma_wait3A_352 = arith.constant 5 : i32
    %dma_wait3A_353 = arith.constant 0 : i32
    %dma_wait3A_354 = arith.constant 0 : i32
    %dma_wait3A_355 = tpu.memref_slice %arg6[%dma_wait3A_352, %dma_wait3A_353, %dma_wait3A_354] : memref<8x128x64xf32, #tpu.memory_space<vmem>> -> memref<1x128x64xf32, #tpu.memory_space<vmem>>
    %dma_wait3A_356 = tpu.memref_squeeze %dma_wait3A_355 : memref<1x128x64xf32, #tpu.memory_space<vmem>> -> memref<128x64xf32, #tpu.memory_space<vmem>>
    %dma_wait3A_357 = arith.constant 0 : i32
    %dma_wait3A_358 = tpu.memref_slice %arg5[%dma_wait3A_351, %dma_wait3A_357] : memref<16x128xi32, #tpu.memory_space<vmem>> -> memref<1x128xi32, #tpu.memory_space<vmem>>
    %dma_wait3A_359 = tpu.memref_squeeze %dma_wait3A_358 : memref<1x128xi32, #tpu.memory_space<vmem>> -> memref<128xi32, #tpu.memory_space<vmem>>
    %dma_wait3A_360 = arith.constant 0 : i32
    %dma_wait3A_361 = arith.constant 0 : i32
    %dma_wait3A_362 = tpu.memref_slice %arg2[%dma_wait3A_360, %dma_wait3A_361] : memref<512x64xf32, #tpu.memory_space<hbm>> -> memref<512x64xf32, #tpu.memory_space<hbm>>
    tpu.wait_indirect_dma semaphore(%arg7 : memref<!tpu.dma_semaphore, #tpu.memory_space<semaphore_mem>>) src(%dma_wait3A_362 : memref<512x64xf32, #tpu.memory_space<hbm>>) dst(%dma_wait3A_356 : memref<128x64xf32, #tpu.memory_space<vmem>>)
    %dma_wait3A_363 = arith.constant 14 : i32
    %dma_wait3A_364 = arith.constant 6 : i32
    %dma_wait3A_365 = arith.constant 0 : i32
    %dma_wait3A_366 = arith.constant 0 : i32
    %dma_wait3A_367 = tpu.memref_slice %arg6[%dma_wait3A_364, %dma_wait3A_365, %dma_wait3A_366] : memref<8x128x64xf32, #tpu.memory_space<vmem>> -> memref<1x128x64xf32, #tpu.memory_space<vmem>>
    %dma_wait3A_368 = tpu.memref_squeeze %dma_wait3A_367 : memref<1x128x64xf32, #tpu.memory_space<vmem>> -> memref<128x64xf32, #tpu.memory_space<vmem>>
    %dma_wait3A_369 = arith.constant 0 : i32
    %dma_wait3A_370 = tpu.memref_slice %arg5[%dma_wait3A_363, %dma_wait3A_369] : memref<16x128xi32, #tpu.memory_space<vmem>> -> memref<1x128xi32, #tpu.memory_space<vmem>>
    %dma_wait3A_371 = tpu.memref_squeeze %dma_wait3A_370 : memref<1x128xi32, #tpu.memory_space<vmem>> -> memref<128xi32, #tpu.memory_space<vmem>>
    %dma_wait3A_372 = arith.constant 0 : i32
    %dma_wait3A_373 = arith.constant 0 : i32
    %dma_wait3A_374 = tpu.memref_slice %arg2[%dma_wait3A_372, %dma_wait3A_373] : memref<512x64xf32, #tpu.memory_space<hbm>> -> memref<512x64xf32, #tpu.memory_space<hbm>>
    tpu.wait_indirect_dma semaphore(%arg7 : memref<!tpu.dma_semaphore, #tpu.memory_space<semaphore_mem>>) src(%dma_wait3A_374 : memref<512x64xf32, #tpu.memory_space<hbm>>) dst(%dma_wait3A_368 : memref<128x64xf32, #tpu.memory_space<vmem>>)
    %dma_wait3A_375 = arith.constant 15 : i32
    %dma_wait3A_376 = arith.constant 7 : i32
    %dma_wait3A_377 = arith.constant 0 : i32
    %dma_wait3A_378 = arith.constant 0 : i32
    %dma_wait3A_379 = tpu.memref_slice %arg6[%dma_wait3A_376, %dma_wait3A_377, %dma_wait3A_378] : memref<8x128x64xf32, #tpu.memory_space<vmem>> -> memref<1x128x64xf32, #tpu.memory_space<vmem>>
    %dma_wait3A_380 = tpu.memref_squeeze %dma_wait3A_379 : memref<1x128x64xf32, #tpu.memory_space<vmem>> -> memref<128x64xf32, #tpu.memory_space<vmem>>
    %dma_wait3A_381 = arith.constant 0 : i32
    %dma_wait3A_382 = tpu.memref_slice %arg5[%dma_wait3A_375, %dma_wait3A_381] : memref<16x128xi32, #tpu.memory_space<vmem>> -> memref<1x128xi32, #tpu.memory_space<vmem>>
    %dma_wait3A_383 = tpu.memref_squeeze %dma_wait3A_382 : memref<1x128xi32, #tpu.memory_space<vmem>> -> memref<128xi32, #tpu.memory_space<vmem>>
    %dma_wait3A_384 = arith.constant 0 : i32
    %dma_wait3A_385 = arith.constant 0 : i32
    %dma_wait3A_386 = tpu.memref_slice %arg2[%dma_wait3A_384, %dma_wait3A_385] : memref<512x64xf32, #tpu.memory_space<hbm>> -> memref<512x64xf32, #tpu.memory_space<hbm>>
    tpu.wait_indirect_dma semaphore(%arg7 : memref<!tpu.dma_semaphore, #tpu.memory_space<semaphore_mem>>) src(%dma_wait3A_386 : memref<512x64xf32, #tpu.memory_space<hbm>>) dst(%dma_wait3A_380 : memref<128x64xf32, #tpu.memory_space<vmem>>)
    %add3A_387 = arith.constant 8 : i32
    %add3A_388 = arith.addi %mul3A_2, %add3A_387 : i32
    "tpu.region"() ({
      %run_scoped3A = tpu.sem_alloc : memref<!tpu.dma_semaphore, #tpu.memory_space<semaphore_mem>>
      %dma_start3A_389 = arith.constant 0 : i32
      %dma_start3A_390 = arith.constant 0 : i32
      %dma_start3A_391 = tpu.memref_slice %arg4[%add3A_388, %dma_start3A_389, %dma_start3A_390] : memref<512x128x64xf32, #tpu.memory_space<hbm>> -> memref<8x128x64xf32, #tpu.memory_space<hbm>>
      %dma_start3A_392 = arith.constant 0 : i32
      %dma_start3A_393 = arith.constant 0 : i32
      %dma_start3A_394 = tpu.memref_slice %arg4[%add3A_388, %dma_start3A_392, %dma_start3A_393] : memref<512x128x64xf32, #tpu.memory_space<hbm>> -> memref<8x128x64xf32, #tpu.memory_space<hbm>>
      tpu.enqueue_dma source(%arg6 : memref<8x128x64xf32, #tpu.memory_space<vmem>>) target(%dma_start3A_394 : memref<8x128x64xf32, #tpu.memory_space<hbm>>) target_semaphore(%run_scoped3A : memref<!tpu.dma_semaphore, #tpu.memory_space<semaphore_mem>>)
      %dma_wait3A_395 = arith.constant 0 : i32
      %dma_wait3A_396 = arith.constant 0 : i32
      %dma_wait3A_397 = tpu.memref_slice %arg4[%add3A_388, %dma_wait3A_395, %dma_wait3A_396] : memref<512x128x64xf32, #tpu.memory_space<hbm>> -> memref<8x128x64xf32, #tpu.memory_space<hbm>>
      %dma_wait3A_398 = arith.constant 0 : i32
      %dma_wait3A_399 = arith.constant 0 : i32
      %dma_wait3A_400 = tpu.memref_slice %arg4[%add3A_388, %dma_wait3A_398, %dma_wait3A_399] : memref<512x128x64xf32, #tpu.memory_space<hbm>> -> memref<8x128x64xf32, #tpu.memory_space<hbm>>
      tpu.wait_dma2 semaphore(%run_scoped3A : memref<!tpu.dma_semaphore, #tpu.memory_space<semaphore_mem>>) src(%arg6 : memref<8x128x64xf32, #tpu.memory_space<vmem>>) dst(%dma_wait3A_400 : memref<8x128x64xf32, #tpu.memory_space<hbm>>)
      tpu.yield
    }) : () -> ()
    return
  }
}

module attributes {stable_mosaic.version = 14 : i64} {
  func.func @_tc_assign(%arg0: i32, %arg1: memref<8192x64xf32, #tpu.memory_space<vmem>>, %arg2: memref<64x512xf32, #tpu.memory_space<vmem>>, %arg3: memref<8x1024xi32, #tpu.memory_space<vmem>>, %arg4: memref<1x1xf32, #tpu.memory_space<smem>>) attributes {dimension_semantics = [#tpu.dimension_semantics<arbitrary>], iteration_bounds = array<i64: 8>, scalar_prefetch = 0 : i64, scratch_operands = 0 : i64, tpu.core_type = #tpu.core_type<tc>, window_params = [{transform_indices = @transform_0, window_bounds = array<i64: 8192, 64>}, {pipeline_mode = #tpu.pipeline_mode<synchronous>, transform_indices = @transform_1, window_bounds = array<i64: 64, 512>}, {transform_indices = @transform_2, window_bounds = array<i64: 8, 1024>}, {transform_indices = @transform_3, window_bounds = array<i64: 1, 1>}]} {
    %get3A = arith.constant 0 : index
    %get3A_0 = arith.constant 0 : index
    %get3A_1 = vector.load %arg1[%get3A, %get3A_0] : memref<8192x64xf32, #tpu.memory_space<vmem>>, vector<8192x64xf32>
    %get3A_2 = arith.constant 0 : index
    %get3A_3 = arith.constant 0 : index
    %get3A_4 = vector.load %arg2[%get3A_2, %get3A_3] : memref<64x512xf32, #tpu.memory_space<vmem>>, vector<64x512xf32>
    %dot_general3A = arith.constant dense<0.000000e+00> : vector<8192x512xf32>
    %dot_general3A_5 = tpu.matmul %get3A_1, %get3A_4, %dot_general3A {dimension_numbers = #tpu.dot_dimension_numbers<[1], [0], [0], [1], [0, 0, 1, 1], [], []>, transpose_lhs_hint = false} : vector<8192x64xf32>, vector<64x512xf32>, vector<8192x512xf32> -> vector<8192x512xf32>
    %integer_pow3A = arith.mulf %get3A_1, %get3A_1 : vector<8192x64xf32>
    %reduce_sum3A = arith.constant dense<0.000000e+00> : vector<8192xf32>
    %reduce_sum3A_6 = vector.multi_reduction <add>, %integer_pow3A, %reduce_sum3A [1] : vector<8192x64xf32> to vector<8192xf32>
    %broadcast_in_dim3A = vector.shape_cast %reduce_sum3A_6 : vector<8192xf32> to vector<8192x1xf32>
    %integer_pow3A_7 = arith.mulf %get3A_4, %get3A_4 : vector<64x512xf32>
    %reduce_sum3A_8 = arith.constant dense<0.000000e+00> : vector<512xf32>
    %reduce_sum3A_9 = vector.multi_reduction <add>, %integer_pow3A_7, %reduce_sum3A_8 [0] : vector<64x512xf32> to vector<512xf32>
    %broadcast_in_dim3A_10 = vector.shape_cast %reduce_sum3A_9 : vector<512xf32> to vector<1x512xf32>
    %mul3A = arith.constant 2.000000e+00 : f32
    %mul3A_11 = vector.broadcast %mul3A : f32 to vector<8192x512xf32>
    %mul3A_12 = arith.mulf %mul3A_11, %dot_general3A_5 : vector<8192x512xf32>
    %sub3A = vector.broadcast %broadcast_in_dim3A : vector<8192x1xf32> to vector<8192x512xf32>
    %sub3A_13 = arith.subf %sub3A, %mul3A_12 : vector<8192x512xf32>
    %add3A = vector.broadcast %broadcast_in_dim3A_10 : vector<1x512xf32> to vector<8192x512xf32>
    %add3A_14 = arith.addf %sub3A_13, %add3A : vector<8192x512xf32>
    %reduce_min3A = arith.constant dense<0x7F800000> : vector<8192xf32>
    %reduce_min3A_15 = vector.multi_reduction <minimumf>, %add3A_14, %reduce_min3A [1] : vector<8192x512xf32> to vector<8192xf32>
    %broadcast_in_dim3A_16 = vector.shape_cast %reduce_min3A_15 : vector<8192xf32> to vector<8192x1xf32>
    %iota3A = tpu.iota {dimensions = array<i32: 1>} : vector<1x512xi32>
    %convert_element_type3A = arith.sitofp %iota3A : vector<1x512xi32> to vector<1x512xf32>
    %broadcast_in_dim3A_17 = vector.shape_cast %convert_element_type3A : vector<1x512xf32> to vector<1x512xf32>
    %broadcast_in_dim3A_18 = vector.broadcast %broadcast_in_dim3A_17 : vector<1x512xf32> to vector<8192x512xf32>
    %eq3A = vector.broadcast %broadcast_in_dim3A_16 : vector<8192x1xf32> to vector<8192x512xf32>
    %eq3A_19 = arith.cmpf oeq, %add3A_14, %eq3A : vector<8192x512xf32>
    %jit3A = arith.constant 5.120000e+02 : f32
    %broadcast_in_dim3A_20 = vector.broadcast %jit3A : f32 to vector<8192x512xf32>
    %select_n3A = arith.select %eq3A_19, %broadcast_in_dim3A_18, %broadcast_in_dim3A_20 : vector<8192x512xi1>, vector<8192x512xf32>
    %reduce_min3A_21 = arith.constant dense<0x7F800000> : vector<8192xf32>
    %reduce_min3A_22 = vector.multi_reduction <minimumf>, %select_n3A, %reduce_min3A_21 [1] : vector<8192x512xf32> to vector<8192xf32>
    %convert_element_type3A_23 = arith.fptosi %reduce_min3A_22 : vector<8192xf32> to vector<8192xi32>
    %reshape3A = vector.shape_cast %convert_element_type3A_23 : vector<8192xi32> to vector<8x1024xi32>
    %swap3A = arith.constant 0 : index
    %swap3A_24 = arith.constant 0 : index
    %swap3A_25 = vector.load %arg3[%swap3A, %swap3A_24] : memref<8x1024xi32, #tpu.memory_space<vmem>>, vector<8x1024xi32>
    tpu.vector_store %arg3[%swap3A, %swap3A_24], %reshape3A {strides = array<i32>} : memref<8x1024xi32, #tpu.memory_space<vmem>>, vector<8x1024xi32>,
    %eq3A_26 = arith.constant 0 : i32
    %eq3A_27 = arith.cmpi eq, %arg0, %eq3A_26 : i32
    %convert_element_type3A_28 = arith.extui %eq3A_27 : i1 to i32
    %cond3A = arith.constant 0 : i32
    %cond3A_29 = arith.cmpi ne, %convert_element_type3A_28, %cond3A : i32
    scf.if %cond3A_29 {
      %swap3A_44 = arith.constant 0.000000e+00 : f32
      %swap3A_45 = arith.constant 0 : index
      %swap3A_46 = arith.constant 0 : index
      %swap3A_47 = memref.load %arg4[%swap3A_45, %swap3A_46] : memref<1x1xf32, #tpu.memory_space<smem>>
      memref.store %swap3A_44, %arg4[%swap3A_45, %swap3A_46] : memref<1x1xf32, #tpu.memory_space<smem>>
    } else {
    }
    %get3A_30 = arith.constant 0 : index
    %get3A_31 = arith.constant 0 : index
    %get3A_32 = memref.load %arg4[%get3A_30, %get3A_31] : memref<1x1xf32, #tpu.memory_space<smem>>
    %reduce_sum3A_33 = vector.shape_cast %broadcast_in_dim3A_16 : vector<8192x1xf32> to vector<1x8192x1xf32>
    %reduce_sum3A_34 = arith.constant dense<0.000000e+00> : vector<1xf32>
    %reduce_sum3A_35 = vector.multi_reduction <add>, %reduce_sum3A_33, %reduce_sum3A_34 [1, 2] : vector<1x8192x1xf32> to vector<1xf32>
    %reduce_sum3A_36 = vector.shape_cast %reduce_sum3A_35 : vector<1xf32> to vector<1x1x1xf32>
    %reduce_sum3A_37 = vector.extract %reduce_sum3A_36[0, 0, 0] : f32 from vector<1x1x1xf32>
    %mul3A_38 = arith.constant 4.76837158E-7 : f32
    %mul3A_39 = arith.mulf %reduce_sum3A_37, %mul3A_38 : f32
    %add3A_40 = arith.addf %get3A_32, %mul3A_39 : f32
    %swap3A_41 = arith.constant 0 : index
    %swap3A_42 = arith.constant 0 : index
    %swap3A_43 = memref.load %arg4[%swap3A_41, %swap3A_42] : memref<1x1xf32, #tpu.memory_space<smem>>
    memref.store %add3A_40, %arg4[%swap3A_41, %swap3A_42] : memref<1x1xf32, #tpu.memory_space<smem>>
    return
  }
  func.func @transform_0(%arg0: i32) -> (i32, i32) {
    %c0_i32 = arith.constant 0 : i32
    %c0_i32_0 = arith.constant 0 : i32
    return %arg0, %c0_i32 : i32, i32
  }
  func.func @transform_1(%arg0: i32) -> (i32, i32) {
    %c0_i32 = arith.constant 0 : i32
    %c0_i32_0 = arith.constant 0 : i32
    %c0_i32_1 = arith.constant 0 : i32
    return %c0_i32, %c0_i32_0 : i32, i32
  }
  func.func @transform_2(%arg0: i32) -> (i32, i32) {
    %c0_i32 = arith.constant 0 : i32
    %c0_i32_0 = arith.constant 0 : i32
    return %arg0, %c0_i32 : i32, i32
  }
  func.func @transform_3(%arg0: i32) -> (i32, i32) {
    %c0_i32 = arith.constant 0 : i32
    %c0_i32_0 = arith.constant 0 : i32
    %c0_i32_1 = arith.constant 0 : i32
    return %c0_i32, %c0_i32_0 : i32, i32
  }
}

</mosaic_0001>

<sc_bundles>
// kernel: kernel.4.cloned.1.call-start
scs
__scs_entry_jumppad:
0x0: {  	(pc) =	sbr.rel $0x88, $3  }
0x1: {  	(tag) =	ssettag $0x0;
	lr =	simm.s32 $0x1  }
0x2: {  	[smem:$0x3F9F] =	sst lr;
	_ =	strace $0xD0000000  }
0x3: {  	_ = 	snop  }
0x4: {  	_ = 	snop  }
0x5: {  	_ = 	snop  }
0x6: {  	_ = 	snop  }
0x7: {  	_ = 	snop  }
__scs_overlays_trampoline_lowered:
0x8: {  	[smem:$0x3FAE] =	sst s0  }
0x9: {  	[smem:$0x3FAF] =	sst s1  }
0xa: {  	[smem:$0x3FB0] =	sst s2  }
0xb: {  	[smem:$0x3FB1] =	sst s3  }
0xc: {  	[smem:$0x3FB2] =	sst s4  }
0xd: {  	[smem:$0x3FB3] =	sst s5  }
0xe: {  	[smem:$0x3FB4] =	sst s6  }
0xf: {  	[smem:$0x3FB5] =	sst s7  }
0x10: {  	[smem:$0x3FB6] =	sst s8  }
0x11: {  	[smem:$0x3FB7] =	sst s9;
	s0 =	simm.s32 @!p0 $0x0  }
0x12: {  	s1 =	sld [smem:$0x3F9D];
	s0 =	simm.s32 @p0 $0x1  }
0x13: {  	[smem:$0x3FB8] =	sst s0;
	s0 =	simm.s32 @!p1 $0x0  }
0x14: {  	s2 =	sld [smem:$0x3F9C];
	s0 =	simm.s32 @p1 $0x1  }
0x15: {  	[smem:$0x3FB9] =	sst s0;
	s0 =	simm.s32 @!p2 $0x0  }
0x16: {  	s3 =	sld [smem:$0x3FDB];
	s0 =	simm.s32 @p2 $0x1  }
0x17: {  	s4 =	simm.s32 $0x1BF5;
	[smem:$0x3FBB] =	sst s0  }
0x18: {  	s0 =	sld [smem:$0x3F9E];
	_ =	swait.ge [sflag:s4], $0x0  }
0x19: {  	s7 =	sld [smem:$0x3F9F]  }
0x1a: {  	s8 =	sadd.s32 $0xFFFFE003, lr  }
0x1b: {  	s9 =	sadd.s32 $0xFFFFFEF7, lr;
	s5 =	simm.s32 $0xFFFFFFFF;
	p2 =	slt.u32 s8, $0xFFFFF086  }
0x1c: {  	p1 =	slt.u32 s9, $0xF7A;
	s5 =	simm.s32 @!p2 $0x0  }
0x1d: {  	s5 =	simm.s32 @p1 $0x1;
	p0 =	seq.s32 s7, s2  }
0x1e: {  	s7 =	smul.u32 @!p0 $0xF7A, s2;
	p2 =	seq.s32 @!p0 s5, $0x0  }
0x1f: {  	s9 =	smul.u32 $0xF7A, s1;
	s8 =	simm.s32 @!p0 $0x1BF5;
	p2 =	por !p2, p0  }
0x20: {  	[sflag:s8] =	ssyncset.s32 @!p0 $0xFFFFF086;
	s6 =	sadd.s32 @!p0 s3, s7;
	s7 =	simm.s32 @!p0 $0x108  }
0x21: {  	s3 =	sadd.s32 s3, s9;
	s6 =	sadd.s32 @!p0 $0x88, s6;
	s7 =	simm.s32 @p2 $0x1082  }
0x22: {  	[simem:s7], [sflag:s8] =	dma.local @!p0 [hbm:s6], $0xF7A  }
0x23: {  	s9 =	sor.u32 $0xD0000000, s2;
	s6 =	simm.s32 $0x108;
	_ =	swait.ge @!p0 [sflag:s8], $0x0  }
0x24: {  	s3 =	sadd.s32 $0x88, s3;
	s6 =	simm.s32 @!p1 $0x1082;
	[sflag:s4] =	ssyncset.s32 $0xFFFFF086  }
0x25: {  	[simem:s6], [sflag:s4] =	dma.local [hbm:s3], $0xF7A  }
0x26: {  	[smem:$0x3F9F] =	sst s1;
	(tag) =	ssettag s2;
	_ =	strace s9  }
0x27: {  	s1 =	sld [smem:$0x3FAF]  }
0x28: {  	s2 =	sld [smem:$0x3FB0]  }
0x29: {  	s4 =	sld [smem:$0x3FB2]  }
0x2a: {  	p0 =	seq.s32 s5, $0x0;
	s5 =	sld [smem:$0x3FB3]  }
0x2b: {  	s6 =	sld [smem:$0x3FB4]  }
0x2c: {  	s7 =	sld [smem:$0x3FB5]  }
0x2d: {  	s3 =	simm.s32 $0x108;
	s8 =	sld [smem:$0x3FB6]  }
0x2e: {  	s3 =	simm.s32 @!p0 $0x1082;
	s9 =	sld [smem:$0x3FB7]  }
0x2f: {  	lr =	sadd.s32 s0, s3;
	s0 =	sld [smem:$0x3FAE]  }
0x30: {  	s3 =	sld [smem:$0x3FB1]  }
0x31: {  	[smem:$0x3FBA] =	sst s10  }
0x32: {  	s10 =	sld [smem:$0x3FB8];
	_ =	sdelay $0x3  }
0x33: {  	p0 =	seq.s32 s10, $0x1;
	s10 =	sld [smem:$0x3FBA];
	_ =	sdelay $0x3  }
0x34: {  	[smem:$0x3FBA] =	sst s10  }
0x35: {  	s10 =	sld [smem:$0x3FB9];
	_ =	sdelay $0x3  }
0x36: {  	p1 =	seq.s32 s10, $0x1;
	s10 =	sld [smem:$0x3FBA];
	_ =	sdelay $0x3  }
0x37: {  	[smem:$0x3FBA] =	sst s10  }
0x38: {  	s10 =	sld [smem:$0x3FBB]  }
0x39: {  	_ = 	snop;
	(pc) =	sbr.ind lr, $3  }
0x3a: {  	_ = 	snop  }
0x3b: {  	_ = 	snop  }
0x3c: {  	p2 =	seq.s32 s10, $0x1;
	s10 =	sld [smem:$0x3FBA]  }
0x3d: {  	_ =	shalt  }
0x3e: {  	_ =	shalt  }
0x3f: {  	_ =	shalt  }
0x40: {  	_ =	shalt  }
0x41: {  	_ =	shalt  }
0x42: {  	_ =	shalt  }
0x43: {  	_ =	shalt  }
0x44: {  	_ =	shalt  }
0x45: {  	_ =	shalt  }
0x46: {  	_ =	shalt  }
0x47: {  	_ =	shalt  }
0x48: {  	_ =	shalt  }
0x49: {  	_ =	shalt  }
0x4a: {  	_ =	shalt  }
0x4b: {  	_ =	shalt  }
0x4c: {  	_ =	shalt  }
0x4d: {  	_ =	shalt  }
0x4e: {  	_ =	shalt  }
0x4f: {  	_ =	shalt  }
0x50: {  	_ =	shalt  }
0x51: {  	_ =	shalt  }
0x52: {  	_ =	shalt  }
0x53: {  	_ =	shalt  }
0x54: {  	_ =	shalt  }
0x55: {  	_ =	shalt  }
0x56: {  	_ =	shalt  }
0x57: {  	_ =	shalt  }
0x58: {  	_ =	shalt  }
0x59: {  	_ =	shalt  }
0x5a: {  	_ =	shalt  }
0x5b: {  	_ =	shalt  }
0x5c: {  	_ =	shalt  }
0x5d: {  	_ =	shalt  }
0x5e: {  	_ =	shalt  }
0x5f: {  	_ =	shalt  }
0x60: {  	_ =	shalt  }
0x61: {  	_ =	shalt  }
0x62: {  	_ =	shalt  }
0x63: {  	_ =	shalt  }
0x64: {  	_ =	shalt  }
0x65: {  	_ =	shalt  }
0x66: {  	_ =	shalt  }
0x67: {  	_ =	shalt  }
0x68: {  	_ =	shalt  }
0x69: {  	_ =	shalt  }
0x6a: {  	_ =	shalt  }
0x6b: {  	_ =	shalt  }
0x6c: {  	_ =	shalt  }
0x6d: {  	_ =	shalt  }
0x6e: {  	_ =	shalt  }
0x6f: {  	_ =	shalt  }
0x70: {  	_ =	shalt  }
0x71: {  	_ =	shalt  }
0x72: {  	_ =	shalt  }
0x73: {  	_ =	shalt  }
0x74: {  	_ =	shalt  }
0x75: {  	_ =	shalt  }
0x76: {  	_ =	shalt  }
0x77: {  	_ =	shalt  }
0x78: {  	_ =	shalt  }
0x79: {  	_ =	shalt  }
0x7a: {  	_ =	shalt  }
0x7b: {  	_ =	shalt  }
0x7c: {  	_ =	shalt  }
0x7d: {  	_ =	shalt  }
0x7e: {  	_ =	shalt  }
0x7f: {  	_ =	shalt  }
0x80: {  	_ =	shalt  }
0x81: {  	_ =	shalt  }
0x82: {  	_ =	shalt  }
0x83: {  	_ =	shalt  }
0x84: {  	_ =	shalt  }
0x85: {  	_ =	shalt  }
0x86: {  	_ =	shalt  }
0x87: {  	_ =	shalt  }
.Lfunc_end0:
.L_simem_size_0:
called_computation_lowered:
.L_overlay_start_0:
0x88: {  	s2 =	sld [smem:$0x3FD9]  }
0x89: {  	s3 =	sld [smem:$0x3FFE];
	_ =	sdelay $0x1  }
0x8a: {  	s1 =	srdreg.scid  }
0x8b: {  	s0 =	sand.u32 $0x1, s1  }
0x8c: {  	s14 =	sshll.u32 s0, $0xA;
	s2 =	sadd.s32 s3, s2  }
0x8d: {  	s2 =	sadd.s32 s2, s14  }
0x8e: {  	[smem:$0x3FC6] =	sst s2  }
0x8f: {  	_ = 	snop  }
0x90: {  	s2 =	sld [smem:$0x3FD0];
	_ =	sdelay $0x2  }
0x91: {  	s15 =	simm.s32 $0xA;
	s4 =	simm.s32 $0x10  }
0x92: {  	[smem:s4], [sflag:s15] =	dma.local [hbm:s2], $0x1  }
0x93: {  	_ =	swait.eq [sflag:s15], $0x1  }
0x94: {  	[sflag:s15] =	ssyncset.done $0x0  }
0x95: {  	[sflag:s15] =	ssyncadd.s32 $0xFFFFFFFF  }
0x96: {  	s16 =	sld [smem:$0x10];
	(tm) =	ssettm $0x1  }
0x97: {  	s17 =	sld [smem:$0x3FFB];
	_ =	sdelay $0x3  }
0x98: {  	_ =	strace s17  }
0x99: {  	s3 =	sld [smem:$0x3FFC];
	_ =	sdelay $0x3  }
0x9a: {  	_ =	strace s3  }
0x9b: {  	s3 =	sld [smem:$0x3FFD];
	_ =	sdelay $0x3  }
0x9c: {  	_ =	strace s3  }
0x9d: {  	_ =	strace $0x8FFFFFFF  }
0x9e: {  	s18 =	sld [smem:$0x3FDB];
	_ =	sdelay $0x1  }
0x9f: {  	s19 =	simm.s32 $_scs_section_size  }
0xa0: {  	s5 =	simm.s32 $_size__tile_overlayer_lowered;
	s6 =	simm.s32 $_tile_overlayer_lowered  }
0xa1: {  	s22 =	simm.s32 $0x1BFF;
	s21 =	sshll.u32 s6, $0x1;
	s3 =	sadd.s32 s19, s18  }
0xa2: {  	s7 =	simm.s32 $0x0;
	s20 =	sshll.u32 s5, $0x1;
	s5 =	sadd.s32 s21, s3  }
0xa3: {  	[timem:s7], [sflag:s22] =	dma.local [hbm:s5], s20  }
0xa4: {  	_ =	swait.ge [sflag:s22], s20  }
0xa5: {  	s4 =	ssub.s32 $0x0, s20;
	[sflag:s22] =	ssyncset.done $0x0  }
0xa6: {  	[sflag:s22] =	ssyncadd.s32 s4;
	_ =	sdelay $0x1  }
0xa7: {  	s23 =	simm.s32 $0x1B8B  }
0xa8: {  	_ =	swait.ge [sflag:s23], $0x1  }
0xa9: {  	[sflag:s23] =	ssyncset.done $0x0  }
0xaa: {  	s25 =	simm.s32 $0x1B8E;
	s24 =	sld [smem:$0x3FFE];
	[sflag:s23] =	ssyncadd.s32 $0xFFFFFFFF  }
0xab: {  	s26 =	simm.s32 $execute0_lowered;
	[smem:$0x3FD2] =	sst s25  }
0xac: {  	s5 =	sshll.u32 s26, $0x1;
	_ =	strace $0x80000046;
	[dreg:$0x1] =	wrdreg $0xFFFFFFFF  }
0xad: {  	s28 =	simm.s32 $_size_execute0_lowered;
	s3 =	sadd.s32 s3, s5;
	[dreg:$0x0] =	wrdreg $0x0  }
0xae: {  	s5 =	sshll.u32 s28, $0x1;
	[dreg:$0x2] =	wrdreg s3  }
0xaf: {  	[dreg:$0x3] =	wrdreg s5  }
0xb0: {  	[dreg:$0x4] =	wrdreg $0xC0  }
0xb1: {  	_ =	task [dreg:s7], $0x5FFFF  }
0xb2: {  	[dreg:$0x1] =	wrdreg $0xFFFFFFFF  }
0xb3: {  	[dreg:$0x0] =	wrdreg $0x60  }
0xb4: {  	[dreg:$0x2] =	wrdreg s24  }
0xb5: {  	[dreg:$0x3] =	wrdreg s16  }
0xb6: {  	[dreg:$0x4] =	wrdreg $0x9  }
0xb7: {  	_ =	task.clear_ibuf [dreg:s7], $0x5FFFF;
	_ =	strace $0x90000046  }
0xb8: {  	s29 =	simm.s32 $0x9;
	_ =	strace $0x80000048  }
0xb9: {  	_ =	swait.ge [sflag:s29], $0x1  }
0xba: {  	[sflag:s29] =	ssyncadd.s32 $0xFFFFFFFF  }
0xbb: {  	_ =	strace $0x90000048  }
0xbc: {  	_ =	sfence  }
0xbd: {  	s30 =	sld [smem:$0x0];
	_ =	sdelay $0x2  }
0xbe: {  	s31 =	sshll.u32 s1, $0xD;
	s1 =	sshrl.u32 s1, $0x2  }
0xbf: {  	s3 =	sand.u32 $0x4000, s31;
	s1 =	sadd.s32 s1, s30  }
0xc0: {  	s0 =	sor.u32 s3, s0;
	s1 =	sshll.u32 s1, $0x11  }
0xc1: {  	s0 =	sor.u32 s1, s0  }
0xc2: {  	s0 =	sadd.s32 $0x8F2B, s0  }
0xc3: {  	[sflag:s0] =	ssyncadd.remote.s32 $0x1  }
0xc4: {  	_ =	sfence.sel $0xFFFF  }
0xc5: {  	[dreg:$0x0] =	wrdreg $0xFFFFFFFF;
	(pc) =	sbr.abs _section_cstart, $3  }
0xc6: {  	[dreg:$0x1] =	wrdreg $0xFFFFFFFF  }
0xc7: {  	_ =	task.clear_ibuf [dreg:s7], $0x2FFFF;
	_ =	strace $0x9FFFFFFF  }
0xc8: {  	(tm) =	ssettm $0x7FFFFFFF  }
0xc9: {  	_ =	shalt  }
tec
execute0_lowered:
.L_overlay_start_1:
0x0: {  	(tag) =	ssettag $0x1  }
0x1: {  	s0 =	rddreg [dreg:$0x0]  }
0x2: {  	s1 =	rddreg [dreg:$0x1]  }
0x3: {  	s2 =	simm.s32 $0x0;
	s3 =	srdreg.scid;
	s4 =	stileid.u32  }
0x4: {  	s8 =	simm.s32 $0x80;
	s10 =	simm.s32 $0x2800;
	s25 =	simm.s32 $0x100  }
0x5: {  	s11 =	simm.s32 $0x4800;
	s26 =	simm.s32 $0x180;
	s12 =	simm.s32 $0x6800  }
0x6: {  	s28 =	simm.s32 $0x200;
	s13 =	simm.s32 $0x8800;
	s29 =	simm.s32 $0x280  }
0x7: {  	s14 =	simm.s32 $0xA800;
	s30 =	simm.s32 $0x300;
	s15 =	simm.s32 $0xC800  }
0x8: {  	s31 =	simm.s32 $0x380;
	s16 =	simm.s32 $0xE800;
	s17 =	simm.s32 $0x400  }
0x9: {  	s18 =	simm.s32 $0x480;
	p0 =	por $0x0, $0x0;
	s3 =	sand.u32 $0x1, s3  }
0xa: {  	s19 =	simm.s32 $0x500;
	s5 =	sshll.u32 s3, $0x4;
	s3 =	ssub.s32 $0x2, s3  }
0xb: {  	s20 =	simm.s32 $0x580;
	s21 =	simm.s32 $0x600;
	s7 =	sshrl.u32 s3, $0x1  }
0xc: {  	s22 =	simm.s32 $0x680;
	s23 =	simm.s32 $0x700;
	s3 =	ssub.s32 s3, s7  }
0xd: {  	[smem:$0x7FF] =	sst s2;
	s4 =	sshll.u32 s4, $0x5;
	s24 =	smax.u32 s3, $0x1  }
0xe: {  	s6 =	sadd.s32 $0x800, s0;
	s4 =	sor.u32 s5, s4;
	p1 =	sne.s32 s24, $0x1  }
.Ltmp0:
0xf: {  	_ =	strace $0x80000047;
	s5 =	sshll.u32 s4, $0xA;
	(pc) =	sbr.rel @!p1 .LBB2_3-.Ltmp0, $4  }
0x10: {  	s4 =	sshll.u32 s4, $0x4;
	s7 =	simm.s32 $0x1;
	s0 =	sadd.s32 s5, s0  }
0x11: {  	s1 =	sadd.s32 s1, s4;
	s3 =	simm.s32 $0x2;
	s5 =	simm.s32 $0x800  }
0x12: {  	[dreg:$0x3] =	wrdreg s1;
	s9 =	sadd.s32 $0x1800, s0;
	s4 =	sadd.s32 $0x3800, s0  }
0x13: {  	s0 =	sadd.s32 $0xFFFFFFFF, s24;
	s24 =	simm.s32 $0x780;
	s1 =	rddreg [dreg:$0x3]  }
0x14: {  	[tilespmem:s2], [sflag:$0x2] =	stream.linear.gather [hbm4b:s1+s2], $0x800, $0x38;
	[tilespmem:$0x10800] =	vst v63  }
0x15: {  	_ =	swait.ge [sflag:s3], $0x800  }
0x16: {  	[sflag:s3] =	ssyncset.done $0x0  }
0x17: {  	[sflag:s3] =	ssyncadd.s32 $0xFFFFF800  }
0x18: {  	[tilespmem:s5], [sflag:$0x1] =	stream.indirect.gather [hbm4b:s6+s8], $0x40, s2, s8, $0xb8;
	[tilespmem:$0x10800] =	vst v63  }
0x19: {  	_ = 	snop  }
0x1a: {  	[tilespmem:s10], [sflag:$0x1] =	stream.indirect.gather [hbm4b:s6+s8], $0x40, s8, s8, $0xb8;
	[tilespmem:$0x10800] =	vst v63  }
0x1b: {  	_ = 	snop  }
0x1c: {  	[tilespmem:s11], [sflag:$0x1] =	stream.indirect.gather [hbm4b:s6+s8], $0x40, s25, s8, $0xb8;
	[tilespmem:$0x10800] =	vst v63  }
0x1d: {  	_ = 	snop  }
0x1e: {  	[tilespmem:s12], [sflag:$0x1] =	stream.indirect.gather [hbm4b:s6+s8], $0x40, s26, s8, $0xb8;
	[tilespmem:$0x10800] =	vst v63  }
0x1f: {  	_ = 	snop  }
0x20: {  	[tilespmem:s13], [sflag:$0x1] =	stream.indirect.gather [hbm4b:s6+s8], $0x40, s28, s8, $0xb8;
	[tilespmem:$0x10800] =	vst v63  }
0x21: {  	_ = 	snop  }
0x22: {  	[tilespmem:s14], [sflag:$0x1] =	stream.indirect.gather [hbm4b:s6+s8], $0x40, s29, s8, $0xb8;
	[tilespmem:$0x10800] =	vst v63  }
0x23: {  	_ = 	snop  }
0x24: {  	[tilespmem:s15], [sflag:$0x1] =	stream.indirect.gather [hbm4b:s6+s8], $0x40, s30, s8, $0xb8;
	[tilespmem:$0x10800] =	vst v63  }
0x25: {  	_ = 	snop  }
0x26: {  	[tilespmem:s16], [sflag:$0x1] =	stream.indirect.gather [hbm4b:s6+s8], $0x40, s31, s8, $0xb8;
	[tilespmem:$0x10800] =	vst v63  }
0x27: {  	_ =	swait.ge [sflag:s7], $0x2000  }
0x28: {  	[sflag:s7] =	ssyncset.done $0x0  }
0x29: {  	[sflag:s7] =	ssyncadd.s32 $0xFFFFE000  }
0x2a: {  	_ =	swait.ge [sflag:s7], $0x2000  }
0x2b: {  	[sflag:s7] =	ssyncset.done $0x0  }
0x2c: {  	[sflag:s7] =	ssyncadd.s32 $0xFFFFE000  }
0x2d: {  	_ =	swait.ge [sflag:s7], $0x2000  }
0x2e: {  	[sflag:s7] =	ssyncset.done $0x0  }
0x2f: {  	[sflag:s7] =	ssyncadd.s32 $0xFFFFE000  }
0x30: {  	_ =	swait.ge [sflag:s7], $0x2000  }
0x31: {  	[sflag:s7] =	ssyncset.done $0x0  }
0x32: {  	[sflag:s7] =	ssyncadd.s32 $0xFFFFE000  }
0x33: {  	_ =	swait.ge [sflag:s7], $0x2000  }
0x34: {  	[sflag:s7] =	ssyncset.done $0x0  }
0x35: {  	[sflag:s7] =	ssyncadd.s32 $0xFFFFE000  }
0x36: {  	_ =	swait.ge [sflag:s7], $0x2000  }
0x37: {  	[sflag:s7] =	ssyncset.done $0x0  }
0x38: {  	[sflag:s7] =	ssyncadd.s32 $0xFFFFE000  }
0x39: {  	_ =	swait.ge [sflag:s7], $0x2000  }
0x3a: {  	[sflag:s7] =	ssyncset.done $0x0  }
0x3b: {  	[sflag:s7] =	ssyncadd.s32 $0xFFFFE000  }
0x3c: {  	_ =	swait.ge [sflag:s7], $0x2000  }
0x3d: {  	[sflag:s7] =	ssyncset.done $0x0  }
0x3e: {  	[sflag:s7] =	ssyncadd.s32 $0xFFFFE000  }
0x3f: {  	[hbm4b:s9+s2] =	stream.linear.scatter [tilespmem:s5], [sflag:$0x2], $0x10000, $0x38;
	[tilespmem:$0x10800] =	vst v63  }
0x40: {  	_ =	swait.ge [sflag:s3], $0x10000  }
0x41: {  	[sflag:s3] =	ssyncset.done $0x0  }
0x42: {  	[sflag:s3] =	ssyncadd.s32 $0xFFFF0000  }
0x43: {  	[tilespmem:s5], [sflag:$0x1] =	stream.indirect.gather [hbm4b:s6+s8], $0x40, s17, s8, $0xb8;
	[tilespmem:$0x10800] =	vst v63  }
0x44: {  	_ = 	snop  }
0x45: {  	[tilespmem:s10], [sflag:$0x1] =	stream.indirect.gather [hbm4b:s6+s8], $0x40, s18, s8, $0xb8;
	[tilespmem:$0x10800] =	vst v63  }
0x46: {  	_ = 	snop  }
0x47: {  	[tilespmem:s11], [sflag:$0x1] =	stream.indirect.gather [hbm4b:s6+s8], $0x40, s19, s8, $0xb8;
	[tilespmem:$0x10800] =	vst v63  }
0x48: {  	_ = 	snop  }
0x49: {  	[tilespmem:s12], [sflag:$0x1] =	stream.indirect.gather [hbm4b:s6+s8], $0x40, s20, s8, $0xb8;
	[tilespmem:$0x10800] =	vst v63  }
0x4a: {  	_ = 	snop  }
0x4b: {  	[tilespmem:s13], [sflag:$0x1] =	stream.indirect.gather [hbm4b:s6+s8], $0x40, s21, s8, $0xb8;
	[tilespmem:$0x10800] =	vst v63  }
0x4c: {  	_ = 	snop  }
0x4d: {  	[tilespmem:s14], [sflag:$0x1] =	stream.indirect.gather [hbm4b:s6+s8], $0x40, s22, s8, $0xb8;
	[tilespmem:$0x10800] =	vst v63  }
0x4e: {  	_ = 	snop  }
0x4f: {  	[tilespmem:s15], [sflag:$0x1] =	stream.indirect.gather [hbm4b:s6+s8], $0x40, s23, s8, $0xb8;
	[tilespmem:$0x10800] =	vst v63  }
0x50: {  	_ = 	snop  }
0x51: {  	[tilespmem:s16], [sflag:$0x1] =	stream.indirect.gather [hbm4b:s6+s8], $0x40, s24, s8, $0xb8;
	[tilespmem:$0x10800] =	vst v63  }
0x52: {  	_ =	swait.ge [sflag:s7], $0x2000  }
0x53: {  	[sflag:s7] =	ssyncset.done $0x0  }
0x54: {  	[sflag:s7] =	ssyncadd.s32 $0xFFFFE000  }
0x55: {  	_ =	swait.ge [sflag:s7], $0x2000  }
0x56: {  	[sflag:s7] =	ssyncset.done $0x0  }
0x57: {  	[sflag:s7] =	ssyncadd.s32 $0xFFFFE000  }
0x58: {  	_ =	swait.ge [sflag:s7], $0x2000  }
0x59: {  	[sflag:s7] =	ssyncset.done $0x0  }
0x5a: {  	[sflag:s7] =	ssyncadd.s32 $0xFFFFE000  }
0x5b: {  	_ =	swait.ge [sflag:s7], $0x2000  }
0x5c: {  	[sflag:s7] =	ssyncset.done $0x0  }
0x5d: {  	[sflag:s7] =	ssyncadd.s32 $0xFFFFE000  }
0x5e: {  	_ =	swait.ge [sflag:s7], $0x2000  }
0x5f: {  	[sflag:s7] =	ssyncset.done $0x0  }
0x60: {  	[sflag:s7] =	ssyncadd.s32 $0xFFFFE000  }
0x61: {  	_ =	swait.ge [sflag:s7], $0x2000  }
0x62: {  	[sflag:s7] =	ssyncset.done $0x0  }
0x63: {  	[sflag:s7] =	ssyncadd.s32 $0xFFFFE000  }
0x64: {  	_ =	swait.ge [sflag:s7], $0x2000  }
0x65: {  	[sflag:s7] =	ssyncset.done $0x0  }
0x66: {  	[sflag:s7] =	ssyncadd.s32 $0xFFFFE000  }
0x67: {  	p1 =	sne.s32 s0, $0x1;
	_ =	swait.ge [sflag:s7], $0x2000  }
.Ltmp1:
0x68: {  	[sflag:s7] =	ssyncset.done $0x0;
	(pc) =	sbr.rel @!p1 .LBB2_3-.Ltmp1, $4  }
0x69: {  	[sflag:s7] =	ssyncadd.s32 $0xFFFFE000  }
0x6a: {  	[hbm4b:s4+s2] =	stream.linear.scatter [tilespmem:s5], [sflag:$0x2], $0x10000, $0x38;
	[tilespmem:$0x10800] =	vst v63  }
0x6b: {  	s0 =	sadd.s32 $0xFFFFFFFF, s0;
	_ =	swait.ge [sflag:s3], $0x10000  }
0x6c: {  	p0 =	por $0x1, $0x1;
	s1 =	rddreg [dreg:$0x3];
	[sflag:s3] =	ssyncset.done $0x0  }
.LBB2_2:
0x6d: {  	[sflag:s3] =	ssyncadd.s32 $0xFFFF0000  }
0x6e: {  	[tilespmem:s2], [sflag:$0x2] =	stream.linear.gather [hbm4b:s1+s2], $0x800, $0x38;
	[tilespmem:$0x10800] =	vst v63  }
0x6f: {  	_ =	swait.ge [sflag:s3], $0x800  }
0x70: {  	[sflag:s3] =	ssyncset.done $0x0  }
0x71: {  	[sflag:s3] =	ssyncadd.s32 $0xFFFFF800  }
0x72: {  	[tilespmem:s5], [sflag:$0x1] =	stream.indirect.gather [hbm4b:s6+s8], $0x40, s2, s8, $0xb8;
	[tilespmem:$0x10800] =	vst v63  }
0x73: {  	_ = 	snop  }
0x74: {  	[tilespmem:s10], [sflag:$0x1] =	stream.indirect.gather [hbm4b:s6+s8], $0x40, s8, s8, $0xb8;
	[tilespmem:$0x10800] =	vst v63  }
0x75: {  	_ = 	snop  }
0x76: {  	[tilespmem:s11], [sflag:$0x1] =	stream.indirect.gather [hbm4b:s6+s8], $0x40, s25, s8, $0xb8;
	[tilespmem:$0x10800] =	vst v63  }
0x77: {  	_ = 	snop  }
0x78: {  	[tilespmem:s12], [sflag:$0x1] =	stream.indirect.gather [hbm4b:s6+s8], $0x40, s26, s8, $0xb8;
	[tilespmem:$0x10800] =	vst v63  }
0x79: {  	_ = 	snop  }
0x7a: {  	[tilespmem:s13], [sflag:$0x1] =	stream.indirect.gather [hbm4b:s6+s8], $0x40, s28, s8, $0xb8;
	[tilespmem:$0x10800] =	vst v63  }
0x7b: {  	_ = 	snop  }
0x7c: {  	[tilespmem:s14], [sflag:$0x1] =	stream.indirect.gather [hbm4b:s6+s8], $0x40, s29, s8, $0xb8;
	[tilespmem:$0x10800] =	vst v63  }
0x7d: {  	_ = 	snop  }
0x7e: {  	[tilespmem:s15], [sflag:$0x1] =	stream.indirect.gather [hbm4b:s6+s8], $0x40, s30, s8, $0xb8;
	[tilespmem:$0x10800] =	vst v63  }
0x7f: {  	_ = 	snop  }
0x80: {  	[tilespmem:s16], [sflag:$0x1] =	stream.indirect.gather [hbm4b:s6+s8], $0x40, s31, s8, $0xb8;
	[tilespmem:$0x10800] =	vst v63  }
0x81: {  	_ =	swait.ge [sflag:s7], $0x2000  }
0x82: {  	[sflag:s7] =	ssyncset.done $0x0  }
0x83: {  	[sflag:s7] =	ssyncadd.s32 $0xFFFFE000  }
0x84: {  	_ =	swait.ge [sflag:s7], $0x2000  }
0x85: {  	[sflag:s7] =	ssyncset.done $0x0  }
0x86: {  	[sflag:s7] =	ssyncadd.s32 $0xFFFFE000  }
0x87: {  	_ =	swait.ge [sflag:s7], $0x2000  }
0x88: {  	[sflag:s7] =	ssyncset.done $0x0  }
0x89: {  	[sflag:s7] =	ssyncadd.s32 $0xFFFFE000  }
0x8a: {  	_ =	swait.ge [sflag:s7], $0x2000  }
0x8b: {  	[sflag:s7] =	ssyncset.done $0x0  }
0x8c: {  	[sflag:s7] =	ssyncadd.s32 $0xFFFFE000  }
0x8d: {  	_ =	swait.ge [sflag:s7], $0x2000  }
0x8e: {  	[sflag:s7] =	ssyncset.done $0x0  }
0x8f: {  	[sflag:s7] =	ssyncadd.s32 $0xFFFFE000  }
0x90: {  	_ =	swait.ge [sflag:s7], $0x2000  }
0x91: {  	[sflag:s7] =	ssyncset.done $0x0  }
0x92: {  	[sflag:s7] =	ssyncadd.s32 $0xFFFFE000  }
0x93: {  	_ =	swait.ge [sflag:s7], $0x2000  }
0x94: {  	[sflag:s7] =	ssyncset.done $0x0  }
0x95: {  	[sflag:s7] =	ssyncadd.s32 $0xFFFFE000  }
0x96: {  	_ =	swait.ge [sflag:s7], $0x2000  }
0x97: {  	[sflag:s7] =	ssyncset.done $0x0  }
0x98: {  	[sflag:s7] =	ssyncadd.s32 $0xFFFFE000  }
0x99: {  	[hbm4b:s9+s2] =	stream.linear.scatter [tilespmem:s5], [sflag:$0x2], $0x10000, $0x38;
	[tilespmem:$0x10800] =	vst v63  }
0x9a: {  	_ =	swait.ge [sflag:s3], $0x10000  }
0x9b: {  	[sflag:s3] =	ssyncset.done $0x0  }
0x9c: {  	[sflag:s3] =	ssyncadd.s32 $0xFFFF0000  }
0x9d: {  	[tilespmem:s5], [sflag:$0x1] =	stream.indirect.gather [hbm4b:s6+s8], $0x40, s17, s8, $0xb8;
	[tilespmem:$0x10800] =	vst v63  }
0x9e: {  	_ = 	snop  }
0x9f: {  	[tilespmem:s10], [sflag:$0x1] =	stream.indirect.gather [hbm4b:s6+s8], $0x40, s18, s8, $0xb8;
	[tilespmem:$0x10800] =	vst v63  }
0xa0: {  	_ = 	snop  }
0xa1: {  	[tilespmem:s11], [sflag:$0x1] =	stream.indirect.gather [hbm4b:s6+s8], $0x40, s19, s8, $0xb8;
	[tilespmem:$0x10800] =	vst v63  }
0xa2: {  	_ = 	snop  }
0xa3: {  	[tilespmem:s12], [sflag:$0x1] =	stream.indirect.gather [hbm4b:s6+s8], $0x40, s20, s8, $0xb8;
	[tilespmem:$0x10800] =	vst v63  }
0xa4: {  	_ = 	snop  }
0xa5: {  	[tilespmem:s13], [sflag:$0x1] =	stream.indirect.gather [hbm4b:s6+s8], $0x40, s21, s8, $0xb8;
	[tilespmem:$0x10800] =	vst v63  }
0xa6: {  	_ = 	snop  }
0xa7: {  	[tilespmem:s14], [sflag:$0x1] =	stream.indirect.gather [hbm4b:s6+s8], $0x40, s22, s8, $0xb8;
	[tilespmem:$0x10800] =	vst v63  }
0xa8: {  	_ = 	snop  }
0xa9: {  	[tilespmem:s15], [sflag:$0x1] =	stream.indirect.gather [hbm4b:s6+s8], $0x40, s23, s8, $0xb8;
	[tilespmem:$0x10800] =	vst v63  }
0xaa: {  	_ = 	snop  }
0xab: {  	[tilespmem:s16], [sflag:$0x1] =	stream.indirect.gather [hbm4b:s6+s8], $0x40, s24, s8, $0xb8;
	[tilespmem:$0x10800] =	vst v63  }
0xac: {  	_ =	swait.ge [sflag:s7], $0x2000  }
0xad: {  	[sflag:s7] =	ssyncset.done $0x0  }
0xae: {  	[sflag:s7] =	ssyncadd.s32 $0xFFFFE000  }
0xaf: {  	_ =	swait.ge [sflag:s7], $0x2000  }
0xb0: {  	[sflag:s7] =	ssyncset.done $0x0  }
0xb1: {  	[sflag:s7] =	ssyncadd.s32 $0xFFFFE000  }
0xb2: {  	_ =	swait.ge [sflag:s7], $0x2000  }
0xb3: {  	[sflag:s7] =	ssyncset.done $0x0  }
0xb4: {  	[sflag:s7] =	ssyncadd.s32 $0xFFFFE000  }
0xb5: {  	_ =	swait.ge [sflag:s7], $0x2000  }
0xb6: {  	[sflag:s7] =	ssyncset.done $0x0  }
0xb7: {  	[sflag:s7] =	ssyncadd.s32 $0xFFFFE000  }
0xb8: {  	_ =	swait.ge [sflag:s7], $0x2000  }
0xb9: {  	[sflag:s7] =	ssyncset.done $0x0  }
0xba: {  	[sflag:s7] =	ssyncadd.s32 $0xFFFFE000  }
0xbb: {  	_ =	swait.ge [sflag:s7], $0x2000  }
0xbc: {  	[sflag:s7] =	ssyncset.done $0x0  }
0xbd: {  	[sflag:s7] =	ssyncadd.s32 $0xFFFFE000  }
0xbe: {  	_ =	swait.ge [sflag:s7], $0x2000  }
0xbf: {  	[sflag:s7] =	ssyncset.done $0x0  }
0xc0: {  	[sflag:s7] =	ssyncadd.s32 $0xFFFFE000  }
0xc1: {  	p1 =	sne.s32 s0, $0x1;
	_ =	swait.ge [sflag:s7], $0x2000  }
.Ltmp2:
0xc2: {  	[sflag:s7] =	ssyncset.done $0x0;
	(pc) =	sbr.rel @p1 .LBB2_2-.Ltmp2, $4  }
0xc3: {  	[sflag:s7] =	ssyncadd.s32 $0xFFFFE000  }
0xc4: {  	[hbm4b:s4+s2] =	stream.linear.scatter [tilespmem:s5], [sflag:$0x2], $0x10000, $0x38;
	[tilespmem:$0x10800] =	vst v63  }
0xc5: {  	_ =	swait.ge [sflag:s3], $0x10000  }
0xc6: {  	s0 =	sadd.s32 $0xFFFFFFFF, s0;
	s1 =	rddreg [dreg:$0x3];
	[sflag:s3] =	ssyncset.done $0x0  }
.LBB2_3:
0xc7: {  	[sflag:s3] =	ssyncadd.s32 @p0 $0xFFFF0000  }
0xc8: {  	[tilespmem:s2], [sflag:$0x2] =	stream.linear.gather [hbm4b:s1+s2], $0x800, $0x38;
	[tilespmem:$0x10800] =	vst v63  }
0xc9: {  	_ =	swait.ge [sflag:s3], $0x800  }
0xca: {  	[sflag:s3] =	ssyncset.done $0x0  }
0xcb: {  	[sflag:s3] =	ssyncadd.s32 $0xFFFFF800  }
0xcc: {  	[tilespmem:s5], [sflag:$0x1] =	stream.indirect.gather [hbm4b:s6+s8], $0x40, s2, s8, $0xb8;
	[tilespmem:$0x10800] =	vst v63  }
0xcd: {  	_ = 	snop  }
0xce: {  	[tilespmem:s10], [sflag:$0x1] =	stream.indirect.gather [hbm4b:s6+s8], $0x40, s8, s8, $0xb8;
	[tilespmem:$0x10800] =	vst v63  }
0xcf: {  	_ = 	snop  }
0xd0: {  	[tilespmem:s11], [sflag:$0x1] =	stream.indirect.gather [hbm4b:s6+s8], $0x40, s25, s8, $0xb8;
	[tilespmem:$0x10800] =	vst v63  }
0xd1: {  	_ = 	snop  }
0xd2: {  	[tilespmem:s12], [sflag:$0x1] =	stream.indirect.gather [hbm4b:s6+s8], $0x40, s26, s8, $0xb8;
	[tilespmem:$0x10800] =	vst v63  }
0xd3: {  	_ = 	snop  }
0xd4: {  	[tilespmem:s13], [sflag:$0x1] =	stream.indirect.gather [hbm4b:s6+s8], $0x40, s28, s8, $0xb8;
	[tilespmem:$0x10800] =	vst v63  }
0xd5: {  	_ = 	snop  }
0xd6: {  	[tilespmem:s14], [sflag:$0x1] =	stream.indirect.gather [hbm4b:s6+s8], $0x40, s29, s8, $0xb8;
	[tilespmem:$0x10800] =	vst v63  }
0xd7: {  	_ = 	snop  }
0xd8: {  	[tilespmem:s15], [sflag:$0x1] =	stream.indirect.gather [hbm4b:s6+s8], $0x40, s30, s8, $0xb8;
	[tilespmem:$0x10800] =	vst v63  }
0xd9: {  	_ = 	snop  }
0xda: {  	[tilespmem:s16], [sflag:$0x1] =	stream.indirect.gather [hbm4b:s6+s8], $0x40, s31, s8, $0xb8;
	[tilespmem:$0x10800] =	vst v63  }
0xdb: {  	_ =	swait.ge [sflag:s7], $0x2000  }
0xdc: {  	[sflag:s7] =	ssyncset.done $0x0  }
0xdd: {  	[sflag:s7] =	ssyncadd.s32 $0xFFFFE000  }
0xde: {  	_ =	swait.ge [sflag:s7], $0x2000  }
0xdf: {  	[sflag:s7] =	ssyncset.done $0x0  }
0xe0: {  	[sflag:s7] =	ssyncadd.s32 $0xFFFFE000  }
0xe1: {  	_ =	swait.ge [sflag:s7], $0x2000  }
0xe2: {  	[sflag:s7] =	ssyncset.done $0x0  }
0xe3: {  	[sflag:s7] =	ssyncadd.s32 $0xFFFFE000  }
0xe4: {  	_ =	swait.ge [sflag:s7], $0x2000  }
0xe5: {  	[sflag:s7] =	ssyncset.done $0x0  }
0xe6: {  	[sflag:s7] =	ssyncadd.s32 $0xFFFFE000  }
0xe7: {  	_ =	swait.ge [sflag:s7], $0x2000  }
0xe8: {  	[sflag:s7] =	ssyncset.done $0x0  }
0xe9: {  	[sflag:s7] =	ssyncadd.s32 $0xFFFFE000  }
0xea: {  	_ =	swait.ge [sflag:s7], $0x2000  }
0xeb: {  	[sflag:s7] =	ssyncset.done $0x0  }
0xec: {  	[sflag:s7] =	ssyncadd.s32 $0xFFFFE000  }
0xed: {  	_ =	swait.ge [sflag:s7], $0x2000  }
0xee: {  	[sflag:s7] =	ssyncset.done $0x0  }
0xef: {  	[sflag:s7] =	ssyncadd.s32 $0xFFFFE000  }
0xf0: {  	_ =	swait.ge [sflag:s7], $0x2000  }
0xf1: {  	[sflag:s7] =	ssyncset.done $0x0  }
0xf2: {  	[sflag:s7] =	ssyncadd.s32 $0xFFFFE000  }
0xf3: {  	[hbm4b:s9+s2] =	stream.linear.scatter [tilespmem:s5], [sflag:$0x2], $0x10000, $0x38;
	[tilespmem:$0x10800] =	vst v63  }
0xf4: {  	_ =	swait.ge [sflag:s3], $0x10000  }
0xf5: {  	[sflag:s3] =	ssyncset.done $0x0  }
0xf6: {  	[sflag:s3] =	ssyncadd.s32 $0xFFFF0000  }
0xf7: {  	[tilespmem:s5], [sflag:$0x1] =	stream.indirect.gather [hbm4b:s6+s8], $0x40, s17, s8, $0xb8;
	[tilespmem:$0x10800] =	vst v63  }
0xf8: {  	_ = 	snop  }
0xf9: {  	[tilespmem:s10], [sflag:$0x1] =	stream.indirect.gather [hbm4b:s6+s8], $0x40, s18, s8, $0xb8;
	[tilespmem:$0x10800] =	vst v63  }
0xfa: {  	_ = 	snop  }
0xfb: {  	[tilespmem:s11], [sflag:$0x1] =	stream.indirect.gather [hbm4b:s6+s8], $0x40, s19, s8, $0xb8;
	[tilespmem:$0x10800] =	vst v63  }
0xfc: {  	_ = 	snop  }
0xfd: {  	[tilespmem:s12], [sflag:$0x1] =	stream.indirect.gather [hbm4b:s6+s8], $0x40, s20, s8, $0xb8;
	[tilespmem:$0x10800] =	vst v63  }
0xfe: {  	_ = 	snop  }
0xff: {  	[tilespmem:s13], [sflag:$0x1] =	stream.indirect.gather [hbm4b:s6+s8], $0x40, s21, s8, $0xb8;
	[tilespmem:$0x10800] =	vst v63  }
0x100: {  	_ = 	snop  }
0x101: {  	[tilespmem:s14], [sflag:$0x1] =	stream.indirect.gather [hbm4b:s6+s8], $0x40, s22, s8, $0xb8;
	[tilespmem:$0x10800] =	vst v63  }
0x102: {  	_ = 	snop  }
0x103: {  	[tilespmem:s15], [sflag:$0x1] =	stream.indirect.gather [hbm4b:s6+s8], $0x40, s23, s8, $0xb8;
	[tilespmem:$0x10800] =	vst v63  }
0x104: {  	_ = 	snop  }
0x105: {  	[tilespmem:s16], [sflag:$0x1] =	stream.indirect.gather [hbm4b:s6+s8], $0x40, s24, s8, $0xb8;
	[tilespmem:$0x10800] =	vst v63  }
0x106: {  	_ =	swait.ge [sflag:s7], $0x2000  }
0x107: {  	[sflag:s7] =	ssyncset.done $0x0  }
0x108: {  	[sflag:s7] =	ssyncadd.s32 $0xFFFFE000  }
0x109: {  	_ =	swait.ge [sflag:s7], $0x2000  }
0x10a: {  	[sflag:s7] =	ssyncset.done $0x0  }
0x10b: {  	[sflag:s7] =	ssyncadd.s32 $0xFFFFE000  }
0x10c: {  	_ =	swait.ge [sflag:s7], $0x2000  }
0x10d: {  	[sflag:s7] =	ssyncset.done $0x0  }
0x10e: {  	[sflag:s7] =	ssyncadd.s32 $0xFFFFE000  }
0x10f: {  	_ =	swait.ge [sflag:s7], $0x2000  }
0x110: {  	[sflag:s7] =	ssyncset.done $0x0  }
0x111: {  	[sflag:s7] =	ssyncadd.s32 $0xFFFFE000  }
0x112: {  	_ =	swait.ge [sflag:s7], $0x2000  }
0x113: {  	[sflag:s7] =	ssyncset.done $0x0  }
0x114: {  	[sflag:s7] =	ssyncadd.s32 $0xFFFFE000  }
0x115: {  	_ =	swait.ge [sflag:s7], $0x2000  }
0x116: {  	[sflag:s7] =	ssyncset.done $0x0  }
0x117: {  	[sflag:s7] =	ssyncadd.s32 $0xFFFFE000  }
0x118: {  	_ =	swait.ge [sflag:s7], $0x2000  }
0x119: {  	[sflag:s7] =	ssyncset.done $0x0  }
0x11a: {  	[sflag:s7] =	ssyncadd.s32 $0xFFFFE000  }
0x11b: {  	_ =	swait.ge [sflag:s7], $0x2000  }
0x11c: {  	[sflag:s7] =	ssyncset.done $0x0  }
0x11d: {  	[sflag:s7] =	ssyncadd.s32 $0xFFFFE000  }
0x11e: {  	[hbm4b:s4+s2] =	stream.linear.scatter [tilespmem:s5], [sflag:$0x2], $0x10000, $0x38;
	[tilespmem:$0x10800] =	vst v63  }
0x11f: {  	_ =	swait.ge [sflag:s3], $0x10000  }
0x120: {  	[sflag:s3] =	ssyncset.done $0x0  }
0x121: {  	[sflag:s3] =	ssyncadd.s32 $0xFFFF0000  }
0x122: {  	_ =	sfence.sel $0x180000  }
0x123: {  	[bflag:$0x0] =	sbarrier.arrive $0xFFFF  }
0x124: {  	_ =	strace $0x90000047  }
0x125: {  	s0 =	stileid.u32;
	[bflag:$0x2] =	sbarrier.arrive $0xFFFF  }
0x126: {  	p0 =	sne.s32 s0, $0x0;
	s0 =	rddreg [dreg:$0x2]  }
0x127: {  	s0 =	sadd.s32 @!p0 $0x100000, s0  }
0x128: {  	[sflag:s0] =	ssyncadd.tile.s32 @!p0 $0x1;
	_ =	shalt  }
.Lfunc_end2:
_tile_overlayer_lowered:
.L_overlay_start_2:
0x129: {  	(tag) =	ssettag $0x2  }
0x12a: {  	s0 =	rddreg [dreg:$0x0];
	s2 =	stileid.u32  }
0x12b: {  	s1 =	rddreg [dreg:$0x1];
	p0 =	sne.s32 s2, $0x0  }
0x12c: {  	s3 =	rddreg [dreg:$0x2];
	[bflag:$0x3] =	sbarrier.arrive $0xFFFF;
	s2 =	simm.s32 @!p0 $0x1C02  }
0x12d: {  	[timem:s3], [sflag:s2] =	dma.local @!p0 [hbm:s0], s1  }
0x12e: {  	s0 =	simm.s32 @!p0 $0x2  }
0x12f: {  	_ =	swait.ge @!p0 [sflag:s0], s1  }
0x130: {  	s1 =	ssub.s32 @!p0 $0x0, s1;
	[sflag:s0] =	ssyncset.done @!p0 $0x0  }
0x131: {  	[sflag:s0] =	ssyncadd.s32 @!p0 s1  }
0x132: {  	[bflag:$0x3] =	sbarrier.arrive $0xFFFF  }
0x133: {  	_ =	shalt  }

</sc_bundles>
